<compile_context>
chip_gen: v7x
topology: tpu7x:2x2x1
jax: 0.10.2.dev20260603
libtpu: 0.0.44.dev20260713+nightly
codegen_flags: <defaults>
</compile_context>

<pallas_src>
import functools

import jax
import jax.numpy as jnp
from jax import lax
from jax.experimental import pallas as pl
from jax.experimental.pallas import tpu as pltpu
from jax.experimental.pallas import tpu_sc as plsc

_NC = 2
_NS = 16
_NW = _NC * _NS
_NBUF = 4
_L = 16
_BT = 128
_DT = 8
_PAD = 131


def _embed_kernel(B, T, D):
    assert B // _BT == _NW
    dv = D // _L
    mesh = plsc.VectorSubcoreMesh(core_axis_name="c", subcore_axis_name="s")

    @functools.partial(
        pl.kernel,
        out_type=jax.ShapeDtypeStruct((T, D // _DT, _NW, _DT, _BT),
                                      jnp.float32),
        mesh=mesh,
        compiler_params=pltpu.CompilerParams(
            use_tc_tiling_on_sc=False, needs_layout_passes=False),
        scratch_types=[
            pltpu.VMEM((T, _BT), jnp.int32),
            pltpu.VMEM((T, D), jnp.float32),
            [pltpu.VMEM((_BT, D), jnp.float32) for _ in range(_NBUF)],
            [pltpu.VMEM((D // _DT, _DT, _PAD), jnp.float32)
             for _ in range(_NBUF)],
            [pltpu.SemaphoreType.DMA for _ in range(_NBUF)],
            [pltpu.SemaphoreType.DMA for _ in range(_NBUF)],
        ],
    )
    def k(xt_hbm, tab_hbm, pos_hbm, out_hbm,
          idx_v, pos_v, bufs, obufs, sgs, sos):
        sid = lax.axis_index("s")
        wid = sid * _NC + lax.axis_index("c")
        b0 = wid * _BT

        pltpu.sync_copy(xt_hbm.at[:, pl.ds(b0, _BT)], idx_v)
        pltpu.sync_copy(pos_hbm, pos_v)

        def issue_gather(t, j):
            pltpu.async_copy(tab_hbm.at[idx_v.at[t]], bufs[j], sgs[j])

        def drain_gather(j):
            pltpu.make_async_copy(
                tab_hbm.at[pl.ds(0, _BT)], bufs[j], sgs[j]).wait()

        def issue_out(t, j):
            pltpu.async_copy(
                obufs[j].at[:, :, pl.ds(0, _BT)],
                out_hbm.at[t, :, wid], sos[j])

        def drain_out(j):
            pltpu.make_async_copy(
                out_hbm.at[0, :, 0],
                obufs[j].at[:, :, pl.ds(0, _BT)], sos[j]).wait()

        iota = lax.iota(jnp.int32, _L)
        zero = iota * 0
        dhi = [(iota + _L * kk) >> 3 for kk in range(dv)]
        dlo = [(iota + _L * kk) & 7 for kk in range(dv)]

        def transpose_add(t, j):
            buf, obuf = bufs[j], obufs[j]
            posg = [pos_v[t, pl.ds(_L * kk, _L)] for kk in range(dv)]

            @plsc.parallel_loop(0, _BT, unroll=2)
            def _tr(b):
                colv = zero + b
                for kk in range(dv):
                    v = buf[b, pl.ds(_L * kk, _L)] + posg[kk]
                    plsc.store_scatter(obuf, [dhi[kk], dlo[kk], colv], v)

        for j in range(_NBUF):
            issue_gather(j, j)

        def body(g, carry):
            for j in range(_NBUF):
                t = g * _NBUF + j
                drain_gather(j)

                @pl.when(g > 0)
                def _d():
                    drain_out(j)

                transpose_add(t, j)

                @pl.when(t + _NBUF < T)
                def _g():
                    issue_gather(t + _NBUF, j)

                issue_out(t, j)
            return carry

        lax.fori_loop(0, T // _NBUF, body, 0)
        for j in range(_NBUF):
            drain_out(j)

    return k


def kernel(x, token_embed_tab, positional_embeddings):
    B, T = x.shape
    D = token_embed_tab.shape[1]
    out5 = _embed_kernel(B, T, D)(
        x.T, token_embed_tab, positional_embeddings)
    return out5.transpose(2, 4, 0, 1, 3).reshape(B, T, D)

# --- scband reference (transcript-rebuilt; emitter-appended) ---
"""Pipeline reference for scband-character-embedding-35897336660748 (READ-ONLY COPY).

The authoritative reference and input builder live on the scoring server;
editing this copy changes nothing except your own understanding.
"""

import jax, jax.numpy as jnp
import numpy as np


def get_positional_embeddings(sequence_length, d):
    i = np.arange(sequence_length, dtype=np.float64)[:, None]
    j = np.arange(d, dtype=np.float64)[None, :]
    even = np.sin(i / np.power(10000.0, j / d))
    odd = np.cos(i / np.power(10000.0, (j - 1.0) / d))
    mask = (np.arange(d)[None, :] % 2) == 0
    return jnp.asarray(np.where(mask, even, odd), dtype=jnp.float32)


def setup_inputs(seed: int = 0):
    key = jax.random.key(seed)
    k1, k2 = jax.random.split(key)
    vocab_size, block_size, n_embed = 1000000, 200, 64
    B, T = 4096, 200
    x = jax.random.randint(k1, (B, T), 0, vocab_size, dtype=jnp.int32)
    token_embed_tab = jax.random.normal(k2, (vocab_size, n_embed), dtype=jnp.float32)
    positional_embeddings = get_positional_embeddings(block_size, n_embed)
    return {"x": x, "token_embed_tab": token_embed_tab, "positional_embeddings": positional_embeddings}


def reference(x, token_embed_tab, positional_embeddings):
    B, T = x.shape
    emb = jnp.take(token_embed_tab, x, axis=0)
    pos = positional_embeddings[:T, :]
    # pos.repeat(B, 1, 1) in torch == broadcast add over batch dim
    return emb + jnp.broadcast_to(pos[None, :, :], emb.shape)

if __name__ == "__main__":
    import jax
    _d = setup_inputs()
    print(jax.jit(kernel)(*tuple(_d.values())))

</pallas_src>

<mosaic_0001>
#map = affine_map<(d0, d1) -> (0, 0)>
#map1 = affine_map<(d0, d1) -> (0, 0, 0, 0, 0)>
module attributes {stable_mosaic.version = 14 : i64} {
  func.func @k(%arg0: i32, %arg1: i32, %arg2: memref<200x4096xi32, #tpu.memory_space<hbm>>, %arg3: memref<1000000x64xf32, #tpu.memory_space<hbm>>, %arg4: memref<200x64xf32, #tpu.memory_space<hbm>>, %arg5: memref<200x8x32x8x128xf32, #tpu.memory_space<hbm>>, %arg6: memref<200x128xi32, #tpu.memory_space<vmem>>, %arg7: memref<200x64xf32, #tpu.memory_space<vmem>>, %arg8: memref<128x64xf32, #tpu.memory_space<vmem>>, %arg9: memref<128x64xf32, #tpu.memory_space<vmem>>, %arg10: memref<128x64xf32, #tpu.memory_space<vmem>>, %arg11: memref<128x64xf32, #tpu.memory_space<vmem>>, %arg12: memref<8x8x131xf32, #tpu.memory_space<vmem>>, %arg13: memref<8x8x131xf32, #tpu.memory_space<vmem>>, %arg14: memref<8x8x131xf32, #tpu.memory_space<vmem>>, %arg15: memref<8x8x131xf32, #tpu.memory_space<vmem>>, %arg16: memref<!tpu.dma_semaphore, #tpu.memory_space<semaphore_mem>>, %arg17: memref<!tpu.dma_semaphore, #tpu.memory_space<semaphore_mem>>, %arg18: memref<!tpu.dma_semaphore, #tpu.memory_space<semaphore_mem>>, %arg19: memref<!tpu.dma_semaphore, #tpu.memory_space<semaphore_mem>>, %arg20: memref<!tpu.dma_semaphore, #tpu.memory_space<semaphore_mem>>, %arg21: memref<!tpu.dma_semaphore, #tpu.memory_space<semaphore_mem>>, %arg22: memref<!tpu.dma_semaphore, #tpu.memory_space<semaphore_mem>>, %arg23: memref<!tpu.dma_semaphore, #tpu.memory_space<semaphore_mem>>) attributes {dimension_semantics = [#tpu.dimension_semantics<core_parallel>, #tpu.dimension_semantics<subcore_parallel>], iteration_bounds = array<i64: 2, 16>, scalar_prefetch = 0 : i64, scratch_operands = 18 : i64, tpu.core_type = #tpu.core_type<sc_vector_subcore>, window_params = [{transform_indices = #map}, {transform_indices = #map}, {transform_indices = #map}, {transform_indices = #map1}]} {
    %mul3A = arith.constant 2 : i32
    %mul3A_0 = arith.muli %arg1, %mul3A : i32
    %add3A = arith.addi %mul3A_0, %arg0 : i32
    %mul3A_1 = arith.constant 128 : i32
    %mul3A_2 = arith.muli %add3A, %mul3A_1 : i32
    "tpu.region"() ({
      %run_scoped3A = tpu.sem_alloc : memref<!tpu.dma_semaphore, #tpu.memory_space<semaphore_mem>>
      %dma_start3A_163 = arith.constant 0 : i32
      %dma_start3A_164 = tpu.memref_slice %arg2[%dma_start3A_163, %mul3A_2] : memref<200x4096xi32, #tpu.memory_space<hbm>> -> memref<200x128xi32, #tpu.memory_space<hbm>>
      %dma_start3A_165 = arith.constant 0 : i32
      %dma_start3A_166 = tpu.memref_slice %arg2[%dma_start3A_165, %mul3A_2] : memref<200x4096xi32, #tpu.memory_space<hbm>> -> memref<200x128xi32, #tpu.memory_space<hbm>>
      tpu.enqueue_dma source(%dma_start3A_166 : memref<200x128xi32, #tpu.memory_space<hbm>>) target(%arg6 : memref<200x128xi32, #tpu.memory_space<vmem>>) target_semaphore(%run_scoped3A : memref<!tpu.dma_semaphore, #tpu.memory_space<semaphore_mem>>)
      %dma_wait3A_167 = arith.constant 0 : i32
      %dma_wait3A_168 = tpu.memref_slice %arg2[%dma_wait3A_167, %mul3A_2] : memref<200x4096xi32, #tpu.memory_space<hbm>> -> memref<200x128xi32, #tpu.memory_space<hbm>>
      %dma_wait3A_169 = arith.constant 0 : i32
      %dma_wait3A_170 = tpu.memref_slice %arg2[%dma_wait3A_169, %mul3A_2] : memref<200x4096xi32, #tpu.memory_space<hbm>> -> memref<200x128xi32, #tpu.memory_space<hbm>>
      tpu.wait_dma2 semaphore(%run_scoped3A : memref<!tpu.dma_semaphore, #tpu.memory_space<semaphore_mem>>) src(%dma_wait3A_170 : memref<200x128xi32, #tpu.memory_space<hbm>>) dst(%arg6 : memref<200x128xi32, #tpu.memory_space<vmem>>)
      tpu.yield
    }) : () -> ()
    "tpu.region"() ({
      %run_scoped3A = tpu.sem_alloc : memref<!tpu.dma_semaphore, #tpu.memory_space<semaphore_mem>>
      tpu.enqueue_dma source(%arg4 : memref<200x64xf32, #tpu.memory_space<hbm>>) target(%arg7 : memref<200x64xf32, #tpu.memory_space<vmem>>) target_semaphore(%run_scoped3A : memref<!tpu.dma_semaphore, #tpu.memory_space<semaphore_mem>>)
      tpu.wait_dma2 semaphore(%run_scoped3A : memref<!tpu.dma_semaphore, #tpu.memory_space<semaphore_mem>>) src(%arg4 : memref<200x64xf32, #tpu.memory_space<hbm>>) dst(%arg7 : memref<200x64xf32, #tpu.memory_space<vmem>>)
      tpu.yield
    }) : () -> ()
    %iota3A = tpu.iota {dimensions = array<i32: 0>} : vector<16xi32>
    %mul3A_3 = arith.constant 0 : i32
    %mul3A_4 = vector.broadcast %mul3A_3 : i32 to vector<16xi32>
    %mul3A_5 = arith.muli %iota3A, %mul3A_4 : vector<16xi32>
    %add3A_6 = arith.constant 0 : i32
    %add3A_7 = vector.broadcast %add3A_6 : i32 to vector<16xi32>
    %add3A_8 = arith.addi %iota3A, %add3A_7 : vector<16xi32>
    %shift_right_arithmetic3A = arith.constant 3 : i32
    %shift_right_arithmetic3A_9 = vector.broadcast %shift_right_arithmetic3A : i32 to vector<16xi32>
    %shift_right_arithmetic3A_10 = arith.shrsi %add3A_8, %shift_right_arithmetic3A_9 : vector<16xi32>
    %add3A_11 = arith.constant 16 : i32
    %add3A_12 = vector.broadcast %add3A_11 : i32 to vector<16xi32>
    %add3A_13 = arith.addi %iota3A, %add3A_12 : vector<16xi32>
    %shift_right_arithmetic3A_14 = arith.constant 3 : i32
    %shift_right_arithmetic3A_15 = vector.broadcast %shift_right_arithmetic3A_14 : i32 to vector<16xi32>
    %shift_right_arithmetic3A_16 = arith.shrsi %add3A_13, %shift_right_arithmetic3A_15 : vector<16xi32>
    %add3A_17 = arith.constant 32 : i32
    %add3A_18 = vector.broadcast %add3A_17 : i32 to vector<16xi32>
    %add3A_19 = arith.addi %iota3A, %add3A_18 : vector<16xi32>
    %shift_right_arithmetic3A_20 = arith.constant 3 : i32
    %shift_right_arithmetic3A_21 = vector.broadcast %shift_right_arithmetic3A_20 : i32 to vector<16xi32>
    %shift_right_arithmetic3A_22 = arith.shrsi %add3A_19, %shift_right_arithmetic3A_21 : vector<16xi32>
    %add3A_23 = arith.constant 48 : i32
    %add3A_24 = vector.broadcast %add3A_23 : i32 to vector<16xi32>
    %add3A_25 = arith.addi %iota3A, %add3A_24 : vector<16xi32>
    %shift_right_arithmetic3A_26 = arith.constant 3 : i32
    %shift_right_arithmetic3A_27 = vector.broadcast %shift_right_arithmetic3A_26 : i32 to vector<16xi32>
    %shift_right_arithmetic3A_28 = arith.shrsi %add3A_25, %shift_right_arithmetic3A_27 : vector<16xi32>
    %add3A_29 = arith.constant 0 : i32
    %add3A_30 = vector.broadcast %add3A_29 : i32 to vector<16xi32>
    %add3A_31 = arith.addi %iota3A, %add3A_30 : vector<16xi32>
    %and3A = arith.constant 7 : i32
    %and3A_32 = vector.broadcast %and3A : i32 to vector<16xi32>
    %and3A_33 = arith.andi %add3A_31, %and3A_32 : vector<16xi32>
    %add3A_34 = arith.constant 16 : i32
    %add3A_35 = vector.broadcast %add3A_34 : i32 to vector<16xi32>
    %add3A_36 = arith.addi %iota3A, %add3A_35 : vector<16xi32>
    %and3A_37 = arith.constant 7 : i32
    %and3A_38 = vector.broadcast %and3A_37 : i32 to vector<16xi32>
    %and3A_39 = arith.andi %add3A_36, %and3A_38 : vector<16xi32>
    %add3A_40 = arith.constant 32 : i32
    %add3A_41 = vector.broadcast %add3A_40 : i32 to vector<16xi32>
    %add3A_42 = arith.addi %iota3A, %add3A_41 : vector<16xi32>
    %and3A_43 = arith.constant 7 : i32
    %and3A_44 = vector.broadcast %and3A_43 : i32 to vector<16xi32>
    %and3A_45 = arith.andi %add3A_42, %and3A_44 : vector<16xi32>
    %add3A_46 = arith.constant 48 : i32
    %add3A_47 = vector.broadcast %add3A_46 : i32 to vector<16xi32>
    %add3A_48 = arith.addi %iota3A, %add3A_47 : vector<16xi32>
    %and3A_49 = arith.constant 7 : i32
    %and3A_50 = vector.broadcast %and3A_49 : i32 to vector<16xi32>
    %and3A_51 = arith.andi %add3A_48, %and3A_50 : vector<16xi32>
    %dma_start3A = arith.constant 0 : i32
    %dma_start3A_52 = arith.constant 0 : i32
    %dma_start3A_53 = tpu.memref_slice %arg6[%dma_start3A, %dma_start3A_52] : memref<200x128xi32, #tpu.memory_space<vmem>> -> memref<1x128xi32, #tpu.memory_space<vmem>>
    %dma_start3A_54 = tpu.memref_squeeze %dma_start3A_53 : memref<1x128xi32, #tpu.memory_space<vmem>> -> memref<128xi32, #tpu.memory_space<vmem>>
    %dma_start3A_55 = arith.constant 0 : i32
    %dma_start3A_56 = arith.constant 0 : i32
    %dma_start3A_57 = tpu.memref_slice %arg3[%dma_start3A_55, %dma_start3A_56] : memref<1000000x64xf32, #tpu.memory_space<hbm>> -> memref<1000000x64xf32, #tpu.memory_space<hbm>>
    tpu.enqueue_indirect_dma source(%dma_start3A_57 : memref<1000000x64xf32, #tpu.memory_space<hbm>>) target(%arg8 : memref<128x64xf32, #tpu.memory_space<vmem>>) offsets(%dma_start3A_54 : memref<128xi32, #tpu.memory_space<vmem>>) semaphore(%arg16 : memref<!tpu.dma_semaphore, #tpu.memory_space<semaphore_mem>>)
    %dma_start3A_58 = arith.constant 1 : i32
    %dma_start3A_59 = arith.constant 0 : i32
    %dma_start3A_60 = tpu.memref_slice %arg6[%dma_start3A_58, %dma_start3A_59] : memref<200x128xi32, #tpu.memory_space<vmem>> -> memref<1x128xi32, #tpu.memory_space<vmem>>
    %dma_start3A_61 = tpu.memref_squeeze %dma_start3A_60 : memref<1x128xi32, #tpu.memory_space<vmem>> -> memref<128xi32, #tpu.memory_space<vmem>>
    %dma_start3A_62 = arith.constant 0 : i32
    %dma_start3A_63 = arith.constant 0 : i32
    %dma_start3A_64 = tpu.memref_slice %arg3[%dma_start3A_62, %dma_start3A_63] : memref<1000000x64xf32, #tpu.memory_space<hbm>> -> memref<1000000x64xf32, #tpu.memory_space<hbm>>
    tpu.enqueue_indirect_dma source(%dma_start3A_64 : memref<1000000x64xf32, #tpu.memory_space<hbm>>) target(%arg9 : memref<128x64xf32, #tpu.memory_space<vmem>>) offsets(%dma_start3A_61 : memref<128xi32, #tpu.memory_space<vmem>>) semaphore(%arg17 : memref<!tpu.dma_semaphore, #tpu.memory_space<semaphore_mem>>)
    %dma_start3A_65 = arith.constant 2 : i32
    %dma_start3A_66 = arith.constant 0 : i32
    %dma_start3A_67 = tpu.memref_slice %arg6[%dma_start3A_65, %dma_start3A_66] : memref<200x128xi32, #tpu.memory_space<vmem>> -> memref<1x128xi32, #tpu.memory_space<vmem>>
    %dma_start3A_68 = tpu.memref_squeeze %dma_start3A_67 : memref<1x128xi32, #tpu.memory_space<vmem>> -> memref<128xi32, #tpu.memory_space<vmem>>
    %dma_start3A_69 = arith.constant 0 : i32
    %dma_start3A_70 = arith.constant 0 : i32
    %dma_start3A_71 = tpu.memref_slice %arg3[%dma_start3A_69, %dma_start3A_70] : memref<1000000x64xf32, #tpu.memory_space<hbm>> -> memref<1000000x64xf32, #tpu.memory_space<hbm>>
    tpu.enqueue_indirect_dma source(%dma_start3A_71 : memref<1000000x64xf32, #tpu.memory_space<hbm>>) target(%arg10 : memref<128x64xf32, #tpu.memory_space<vmem>>) offsets(%dma_start3A_68 : memref<128xi32, #tpu.memory_space<vmem>>) semaphore(%arg18 : memref<!tpu.dma_semaphore, #tpu.memory_space<semaphore_mem>>)
    %dma_start3A_72 = arith.constant 3 : i32
    %dma_start3A_73 = arith.constant 0 : i32
    %dma_start3A_74 = tpu.memref_slice %arg6[%dma_start3A_72, %dma_start3A_73] : memref<200x128xi32, #tpu.memory_space<vmem>> -> memref<1x128xi32, #tpu.memory_space<vmem>>
    %dma_start3A_75 = tpu.memref_squeeze %dma_start3A_74 : memref<1x128xi32, #tpu.memory_space<vmem>> -> memref<128xi32, #tpu.memory_space<vmem>>
    %dma_start3A_76 = arith.constant 0 : i32
    %dma_start3A_77 = arith.constant 0 : i32
    %dma_start3A_78 = tpu.memref_slice %arg3[%dma_start3A_76, %dma_start3A_77] : memref<1000000x64xf32, #tpu.memory_space<hbm>> -> memref<1000000x64xf32, #tpu.memory_space<hbm>>
    tpu.enqueue_indirect_dma source(%dma_start3A_78 : memref<1000000x64xf32, #tpu.memory_space<hbm>>) target(%arg11 : memref<128x64xf32, #tpu.memory_space<vmem>>) offsets(%dma_start3A_75 : memref<128xi32, #tpu.memory_space<vmem>>) semaphore(%arg19 : memref<!tpu.dma_semaphore, #tpu.memory_space<semaphore_mem>>)
    %scan3A = arith.constant 0 : i32
    %scan3A_79 = arith.constant 0 : i32
    %scan3A_80 = arith.constant 50 : i32
    %scan3A_81 = arith.addi %scan3A_79, %scan3A_80 : i32
    %scan3A_82 = arith.constant 1 : i32
    scf.for %scan3A_163 = %scan3A_79 to %scan3A_81 step %scan3A_82  : i32 {
      %mul3A_164 = arith.constant 4 : i32
      %mul3A_165 = arith.muli %scan3A_163, %mul3A_164 : i32
      %add3A_166 = arith.constant 0 : i32
      %add3A_167 = arith.addi %mul3A_165, %add3A_166 : i32
      %dma_wait3A_168 = arith.constant 0 : i32
      %dma_wait3A_169 = arith.constant 0 : i32
      %dma_wait3A_170 = tpu.memref_slice %arg3[%dma_wait3A_168, %dma_wait3A_169] : memref<1000000x64xf32, #tpu.memory_space<hbm>> -> memref<128x64xf32, #tpu.memory_space<hbm>>
      %dma_wait3A_171 = arith.constant 0 : i32
      %dma_wait3A_172 = arith.constant 0 : i32
      %dma_wait3A_173 = tpu.memref_slice %arg3[%dma_wait3A_171, %dma_wait3A_172] : memref<1000000x64xf32, #tpu.memory_space<hbm>> -> memref<128x64xf32, #tpu.memory_space<hbm>>
      tpu.wait_dma2 semaphore(%arg16 : memref<!tpu.dma_semaphore, #tpu.memory_space<semaphore_mem>>) src(%dma_wait3A_173 : memref<128x64xf32, #tpu.memory_space<hbm>>) dst(%arg8 : memref<128x64xf32, #tpu.memory_space<vmem>>)
      %gt3A = arith.constant 0 : i32
      %gt3A_174 = arith.cmpi sgt, %scan3A_163, %gt3A : i32
      %convert_element_type3A = arith.extui %gt3A_174 : i1 to i32
      %cond3A = arith.constant 0 : i32
      %cond3A_175 = arith.cmpi ne, %convert_element_type3A, %cond3A : i32
      scf.if %cond3A_175 {
        %dma_wait3A_378 = arith.constant 0 : i32
        %dma_wait3A_379 = arith.constant 0 : i32
        %dma_wait3A_380 = arith.constant 0 : i32
        %dma_wait3A_381 = arith.constant 0 : i32
        %dma_wait3A_382 = arith.constant 0 : i32
        %dma_wait3A_383 = tpu.memref_slice %arg12[%dma_wait3A_380, %dma_wait3A_381, %dma_wait3A_382] : memref<8x8x131xf32, #tpu.memory_space<vmem>> -> memref<8x8x128xf32, #tpu.memory_space<vmem>>
        %dma_wait3A_384 = arith.constant 0 : i32
        %dma_wait3A_385 = arith.constant 0 : i32
        %dma_wait3A_386 = arith.constant 0 : i32
        %dma_wait3A_387 = tpu.memref_slice %arg5[%dma_wait3A_378, %dma_wait3A_384, %dma_wait3A_379, %dma_wait3A_385, %dma_wait3A_386] : memref<200x8x32x8x128xf32, #tpu.memory_space<hbm>> -> memref<1x8x1x8x128xf32, #tpu.memory_space<hbm>>
        %dma_wait3A_388 = tpu.memref_squeeze %dma_wait3A_387 : memref<1x8x1x8x128xf32, #tpu.memory_space<hbm>> -> memref<8x8x128xf32, #tpu.memory_space<hbm>>
        %dma_wait3A_389 = arith.constant 0 : i32
        %dma_wait3A_390 = arith.constant 0 : i32
        %dma_wait3A_391 = arith.constant 0 : i32
        %dma_wait3A_392 = tpu.memref_slice %arg12[%dma_wait3A_389, %dma_wait3A_390, %dma_wait3A_391] : memref<8x8x131xf32, #tpu.memory_space<vmem>> -> memref<8x8x128xf32, #tpu.memory_space<vmem>>
        %dma_wait3A_393 = arith.constant 0 : i32
        %dma_wait3A_394 = arith.constant 0 : i32
        %dma_wait3A_395 = arith.constant 0 : i32
        %dma_wait3A_396 = tpu.memref_slice %arg5[%dma_wait3A_378, %dma_wait3A_393, %dma_wait3A_379, %dma_wait3A_394, %dma_wait3A_395] : memref<200x8x32x8x128xf32, #tpu.memory_space<hbm>> -> memref<1x8x1x8x128xf32, #tpu.memory_space<hbm>>
        %dma_wait3A_397 = tpu.memref_squeeze %dma_wait3A_396 : memref<1x8x1x8x128xf32, #tpu.memory_space<hbm>> -> memref<8x8x128xf32, #tpu.memory_space<hbm>>
        tpu.wait_dma2 semaphore(%arg20 : memref<!tpu.dma_semaphore, #tpu.memory_space<semaphore_mem>>) src(%dma_wait3A_397 : memref<8x8x128xf32, #tpu.memory_space<hbm>>) dst(%dma_wait3A_392 : memref<8x8x128xf32, #tpu.memory_space<vmem>>)
      } else {
      }
      %get3A = arith.index_cast %add3A_167 : i32 to index
      %get3A_176 = arith.constant 0 : index
      %get3A_177 = tpu.vector_load %arg7[%get3A, %get3A_176] {strides = array<i32>} : memref<200x64xf32, #tpu.memory_space<vmem>>, vector<16xf32>,
      %get3A_178 = arith.index_cast %add3A_167 : i32 to index
      %get3A_179 = arith.constant 16 : index
      %get3A_180 = tpu.vector_load %arg7[%get3A_178, %get3A_179] {strides = array<i32>} : memref<200x64xf32, #tpu.memory_space<vmem>>, vector<16xf32>,
      %get3A_181 = arith.index_cast %add3A_167 : i32 to index
      %get3A_182 = arith.constant 32 : index
      %get3A_183 = tpu.vector_load %arg7[%get3A_181, %get3A_182] {strides = array<i32>} : memref<200x64xf32, #tpu.memory_space<vmem>>, vector<16xf32>,
      %get3A_184 = arith.index_cast %add3A_167 : i32 to index
      %get3A_185 = arith.constant 48 : index
      %get3A_186 = tpu.vector_load %arg7[%get3A_184, %get3A_185] {strides = array<i32>} : memref<200x64xf32, #tpu.memory_space<vmem>>, vector<16xf32>,
      %parallel_loop3A = arith.constant 0 : i32
      %parallel_loop3A_187 = arith.constant 128 : i32
      %parallel_loop3A_188 = arith.constant 1 : i32
      scf.for %parallel_loop3A_378 = %parallel_loop3A to %parallel_loop3A_187 step %parallel_loop3A_188  : i32 {
        %parallel_loop3A_379 = vector.broadcast %parallel_loop3A_378 : i32 to vector<16xi32>
        %parallel_loop3A_380 = arith.addi %mul3A_5, %parallel_loop3A_379 : vector<16xi32>
        %parallel_loop3A_381 = arith.index_cast %parallel_loop3A_378 : i32 to index
        %parallel_loop3A_382 = arith.constant 0 : index
        %parallel_loop3A_383 = tpu.vector_load %arg8[%parallel_loop3A_381, %parallel_loop3A_382] {strides = array<i32>} : memref<128x64xf32, #tpu.memory_space<vmem>>, vector<16xf32>,
        %parallel_loop3A_384 = arith.addf %parallel_loop3A_383, %get3A_177 : vector<16xf32>
        tpu.vector_store_idx %arg12[%shift_right_arithmetic3A_10, %and3A_33, %parallel_loop3A_380], %parallel_loop3A_384 : memref<8x8x131xf32, #tpu.memory_space<vmem>>[vector<16xi32>, vector<16xi32>, vector<16xi32>], vector<16xf32>,
        %parallel_loop3A_385 = arith.index_cast %parallel_loop3A_378 : i32 to index
        %parallel_loop3A_386 = arith.constant 16 : index
        %parallel_loop3A_387 = tpu.vector_load %arg8[%parallel_loop3A_385, %parallel_loop3A_386] {strides = array<i32>} : memref<128x64xf32, #tpu.memory_space<vmem>>, vector<16xf32>,
        %parallel_loop3A_388 = arith.addf %parallel_loop3A_387, %get3A_180 : vector<16xf32>
        tpu.vector_store_idx %arg12[%shift_right_arithmetic3A_16, %and3A_39, %parallel_loop3A_380], %parallel_loop3A_388 : memref<8x8x131xf32, #tpu.memory_space<vmem>>[vector<16xi32>, vector<16xi32>, vector<16xi32>], vector<16xf32>,
        %parallel_loop3A_389 = arith.index_cast %parallel_loop3A_378 : i32 to index
        %parallel_loop3A_390 = arith.constant 32 : index
        %parallel_loop3A_391 = tpu.vector_load %arg8[%parallel_loop3A_389, %parallel_loop3A_390] {strides = array<i32>} : memref<128x64xf32, #tpu.memory_space<vmem>>, vector<16xf32>,
        %parallel_loop3A_392 = arith.addf %parallel_loop3A_391, %get3A_183 : vector<16xf32>
        tpu.vector_store_idx %arg12[%shift_right_arithmetic3A_22, %and3A_45, %parallel_loop3A_380], %parallel_loop3A_392 : memref<8x8x131xf32, #tpu.memory_space<vmem>>[vector<16xi32>, vector<16xi32>, vector<16xi32>], vector<16xf32>,
        %parallel_loop3A_393 = arith.index_cast %parallel_loop3A_378 : i32 to index
        %parallel_loop3A_394 = arith.constant 48 : index
        %parallel_loop3A_395 = tpu.vector_load %arg8[%parallel_loop3A_393, %parallel_loop3A_394] {strides = array<i32>} : memref<128x64xf32, #tpu.memory_space<vmem>>, vector<16xf32>,
        %parallel_loop3A_396 = arith.addf %parallel_loop3A_395, %get3A_186 : vector<16xf32>
        tpu.vector_store_idx %arg12[%shift_right_arithmetic3A_28, %and3A_51, %parallel_loop3A_380], %parallel_loop3A_396 : memref<8x8x131xf32, #tpu.memory_space<vmem>>[vector<16xi32>, vector<16xi32>, vector<16xi32>], vector<16xf32>,
      } {sc.loop_unroll_factor = 2 : i64, sc.parallel_access}
      %add3A_189 = arith.constant 4 : i32
      %add3A_190 = arith.addi %add3A_167, %add3A_189 : i32
      %lt3A = arith.constant 200 : i32
      %lt3A_191 = arith.cmpi slt, %add3A_190, %lt3A : i32
      %convert_element_type3A_192 = arith.extui %lt3A_191 : i1 to i32
      %cond3A_193 = arith.constant 0 : i32
      %cond3A_194 = arith.cmpi ne, %convert_element_type3A_192, %cond3A_193 : i32
      scf.if %cond3A_194 {
        %add3A_378 = arith.constant 4 : i32
        %add3A_379 = arith.addi %add3A_167, %add3A_378 : i32
        %dma_start3A_380 = arith.constant 0 : i32
        %dma_start3A_381 = tpu.memref_slice %arg6[%add3A_379, %dma_start3A_380] : memref<200x128xi32, #tpu.memory_space<vmem>> -> memref<1x128xi32, #tpu.memory_space<vmem>>
        %dma_start3A_382 = tpu.memref_squeeze %dma_start3A_381 : memref<1x128xi32, #tpu.memory_space<vmem>> -> memref<128xi32, #tpu.memory_space<vmem>>
        %dma_start3A_383 = arith.constant 0 : i32
        %dma_start3A_384 = arith.constant 0 : i32
        %dma_start3A_385 = tpu.memref_slice %arg3[%dma_start3A_383, %dma_start3A_384] : memref<1000000x64xf32, #tpu.memory_space<hbm>> -> memref<1000000x64xf32, #tpu.memory_space<hbm>>
        tpu.enqueue_indirect_dma source(%dma_start3A_385 : memref<1000000x64xf32, #tpu.memory_space<hbm>>) target(%arg8 : memref<128x64xf32, #tpu.memory_space<vmem>>) offsets(%dma_start3A_382 : memref<128xi32, #tpu.memory_space<vmem>>) semaphore(%arg16 : memref<!tpu.dma_semaphore, #tpu.memory_space<semaphore_mem>>)
      } else {
      }
      %dma_start3A_195 = arith.constant 0 : i32
      %dma_start3A_196 = arith.constant 0 : i32
      %dma_start3A_197 = arith.constant 0 : i32
      %dma_start3A_198 = tpu.memref_slice %arg12[%dma_start3A_195, %dma_start3A_196, %dma_start3A_197] : memref<8x8x131xf32, #tpu.memory_space<vmem>> -> memref<8x8x128xf32, #tpu.memory_space<vmem>>
      %dma_start3A_199 = arith.constant 0 : i32
      %dma_start3A_200 = arith.constant 0 : i32
      %dma_start3A_201 = arith.constant 0 : i32
      %dma_start3A_202 = tpu.memref_slice %arg5[%add3A_167, %dma_start3A_199, %add3A, %dma_start3A_200, %dma_start3A_201] : memref<200x8x32x8x128xf32, #tpu.memory_space<hbm>> -> memref<1x8x1x8x128xf32, #tpu.memory_space<hbm>>
      %dma_start3A_203 = tpu.memref_squeeze %dma_start3A_202 : memref<1x8x1x8x128xf32, #tpu.memory_space<hbm>> -> memref<8x8x128xf32, #tpu.memory_space<hbm>>
      %dma_start3A_204 = arith.constant 0 : i32
      %dma_start3A_205 = arith.constant 0 : i32
      %dma_start3A_206 = arith.constant 0 : i32
      %dma_start3A_207 = tpu.memref_slice %arg5[%add3A_167, %dma_start3A_204, %add3A, %dma_start3A_205, %dma_start3A_206] : memref<200x8x32x8x128xf32, #tpu.memory_space<hbm>> -> memref<1x8x1x8x128xf32, #tpu.memory_space<hbm>>
      %dma_start3A_208 = tpu.memref_squeeze %dma_start3A_207 : memref<1x8x1x8x128xf32, #tpu.memory_space<hbm>> -> memref<8x8x128xf32, #tpu.memory_space<hbm>>
      %dma_start3A_209 = arith.constant 0 : i32
      %dma_start3A_210 = arith.constant 0 : i32
      %dma_start3A_211 = arith.constant 0 : i32
      %dma_start3A_212 = tpu.memref_slice %arg12[%dma_start3A_209, %dma_start3A_210, %dma_start3A_211] : memref<8x8x131xf32, #tpu.memory_space<vmem>> -> memref<8x8x128xf32, #tpu.memory_space<vmem>>
      tpu.enqueue_dma source(%dma_start3A_212 : memref<8x8x128xf32, #tpu.memory_space<vmem>>) target(%dma_start3A_208 : memref<8x8x128xf32, #tpu.memory_space<hbm>>) target_semaphore(%arg20 : memref<!tpu.dma_semaphore, #tpu.memory_space<semaphore_mem>>)
      %mul3A_213 = arith.constant 4 : i32
      %mul3A_214 = arith.muli %scan3A_163, %mul3A_213 : i32
      %add3A_215 = arith.constant 1 : i32
      %add3A_216 = arith.addi %mul3A_214, %add3A_215 : i32
      %dma_wait3A_217 = arith.constant 0 : i32
      %dma_wait3A_218 = arith.constant 0 : i32
      %dma_wait3A_219 = tpu.memref_slice %arg3[%dma_wait3A_217, %dma_wait3A_218] : memref<1000000x64xf32, #tpu.memory_space<hbm>> -> memref<128x64xf32, #tpu.memory_space<hbm>>
      %dma_wait3A_220 = arith.constant 0 : i32
      %dma_wait3A_221 = arith.constant 0 : i32
      %dma_wait3A_222 = tpu.memref_slice %arg3[%dma_wait3A_220, %dma_wait3A_221] : memref<1000000x64xf32, #tpu.memory_space<hbm>> -> memref<128x64xf32, #tpu.memory_space<hbm>>
      tpu.wait_dma2 semaphore(%arg17 : memref<!tpu.dma_semaphore, #tpu.memory_space<semaphore_mem>>) src(%dma_wait3A_222 : memref<128x64xf32, #tpu.memory_space<hbm>>) dst(%arg9 : memref<128x64xf32, #tpu.memory_space<vmem>>)
      %gt3A_223 = arith.constant 0 : i32
      %gt3A_224 = arith.cmpi sgt, %scan3A_163, %gt3A_223 : i32
      %convert_element_type3A_225 = arith.extui %gt3A_224 : i1 to i32
      %cond3A_226 = arith.constant 0 : i32
      %cond3A_227 = arith.cmpi ne, %convert_element_type3A_225, %cond3A_226 : i32
      scf.if %cond3A_227 {
        %dma_wait3A_378 = arith.constant 0 : i32
        %dma_wait3A_379 = arith.constant 0 : i32
        %dma_wait3A_380 = arith.constant 0 : i32
        %dma_wait3A_381 = arith.constant 0 : i32
        %dma_wait3A_382 = arith.constant 0 : i32
        %dma_wait3A_383 = tpu.memref_slice %arg13[%dma_wait3A_380, %dma_wait3A_381, %dma_wait3A_382] : memref<8x8x131xf32, #tpu.memory_space<vmem>> -> memref<8x8x128xf32, #tpu.memory_space<vmem>>
        %dma_wait3A_384 = arith.constant 0 : i32
        %dma_wait3A_385 = arith.constant 0 : i32
        %dma_wait3A_386 = arith.constant 0 : i32
        %dma_wait3A_387 = tpu.memref_slice %arg5[%dma_wait3A_378, %dma_wait3A_384, %dma_wait3A_379, %dma_wait3A_385, %dma_wait3A_386] : memref<200x8x32x8x128xf32, #tpu.memory_space<hbm>> -> memref<1x8x1x8x128xf32, #tpu.memory_space<hbm>>
        %dma_wait3A_388 = tpu.memref_squeeze %dma_wait3A_387 : memref<1x8x1x8x128xf32, #tpu.memory_space<hbm>> -> memref<8x8x128xf32, #tpu.memory_space<hbm>>
        %dma_wait3A_389 = arith.constant 0 : i32
        %dma_wait3A_390 = arith.constant 0 : i32
        %dma_wait3A_391 = arith.constant 0 : i32
        %dma_wait3A_392 = tpu.memref_slice %arg13[%dma_wait3A_389, %dma_wait3A_390, %dma_wait3A_391] : memref<8x8x131xf32, #tpu.memory_space<vmem>> -> memref<8x8x128xf32, #tpu.memory_space<vmem>>
        %dma_wait3A_393 = arith.constant 0 : i32
        %dma_wait3A_394 = arith.constant 0 : i32
        %dma_wait3A_395 = arith.constant 0 : i32
        %dma_wait3A_396 = tpu.memref_slice %arg5[%dma_wait3A_378, %dma_wait3A_393, %dma_wait3A_379, %dma_wait3A_394, %dma_wait3A_395] : memref<200x8x32x8x128xf32, #tpu.memory_space<hbm>> -> memref<1x8x1x8x128xf32, #tpu.memory_space<hbm>>
        %dma_wait3A_397 = tpu.memref_squeeze %dma_wait3A_396 : memref<1x8x1x8x128xf32, #tpu.memory_space<hbm>> -> memref<8x8x128xf32, #tpu.memory_space<hbm>>
        tpu.wait_dma2 semaphore(%arg21 : memref<!tpu.dma_semaphore, #tpu.memory_space<semaphore_mem>>) src(%dma_wait3A_397 : memref<8x8x128xf32, #tpu.memory_space<hbm>>) dst(%dma_wait3A_392 : memref<8x8x128xf32, #tpu.memory_space<vmem>>)
      } else {
      }
      %get3A_228 = arith.index_cast %add3A_216 : i32 to index
      %get3A_229 = arith.constant 0 : index
      %get3A_230 = tpu.vector_load %arg7[%get3A_228, %get3A_229] {strides = array<i32>} : memref<200x64xf32, #tpu.memory_space<vmem>>, vector<16xf32>,
      %get3A_231 = arith.index_cast %add3A_216 : i32 to index
      %get3A_232 = arith.constant 16 : index
      %get3A_233 = tpu.vector_load %arg7[%get3A_231, %get3A_232] {strides = array<i32>} : memref<200x64xf32, #tpu.memory_space<vmem>>, vector<16xf32>,
      %get3A_234 = arith.index_cast %add3A_216 : i32 to index
      %get3A_235 = arith.constant 32 : index
      %get3A_236 = tpu.vector_load %arg7[%get3A_234, %get3A_235] {strides = array<i32>} : memref<200x64xf32, #tpu.memory_space<vmem>>, vector<16xf32>,
      %get3A_237 = arith.index_cast %add3A_216 : i32 to index
      %get3A_238 = arith.constant 48 : index
      %get3A_239 = tpu.vector_load %arg7[%get3A_237, %get3A_238] {strides = array<i32>} : memref<200x64xf32, #tpu.memory_space<vmem>>, vector<16xf32>,
      %parallel_loop3A_240 = arith.constant 0 : i32
      %parallel_loop3A_241 = arith.constant 128 : i32
      %parallel_loop3A_242 = arith.constant 1 : i32
      scf.for %parallel_loop3A_378 = %parallel_loop3A_240 to %parallel_loop3A_241 step %parallel_loop3A_242  : i32 {
        %parallel_loop3A_379 = vector.broadcast %parallel_loop3A_378 : i32 to vector<16xi32>
        %parallel_loop3A_380 = arith.addi %mul3A_5, %parallel_loop3A_379 : vector<16xi32>
        %parallel_loop3A_381 = arith.index_cast %parallel_loop3A_378 : i32 to index
        %parallel_loop3A_382 = arith.constant 0 : index
        %parallel_loop3A_383 = tpu.vector_load %arg9[%parallel_loop3A_381, %parallel_loop3A_382] {strides = array<i32>} : memref<128x64xf32, #tpu.memory_space<vmem>>, vector<16xf32>,
        %parallel_loop3A_384 = arith.addf %parallel_loop3A_383, %get3A_230 : vector<16xf32>
        tpu.vector_store_idx %arg13[%shift_right_arithmetic3A_10, %and3A_33, %parallel_loop3A_380], %parallel_loop3A_384 : memref<8x8x131xf32, #tpu.memory_space<vmem>>[vector<16xi32>, vector<16xi32>, vector<16xi32>], vector<16xf32>,
        %parallel_loop3A_385 = arith.index_cast %parallel_loop3A_378 : i32 to index
        %parallel_loop3A_386 = arith.constant 16 : index
        %parallel_loop3A_387 = tpu.vector_load %arg9[%parallel_loop3A_385, %parallel_loop3A_386] {strides = array<i32>} : memref<128x64xf32, #tpu.memory_space<vmem>>, vector<16xf32>,
        %parallel_loop3A_388 = arith.addf %parallel_loop3A_387, %get3A_233 : vector<16xf32>
        tpu.vector_store_idx %arg13[%shift_right_arithmetic3A_16, %and3A_39, %parallel_loop3A_380], %parallel_loop3A_388 : memref<8x8x131xf32, #tpu.memory_space<vmem>>[vector<16xi32>, vector<16xi32>, vector<16xi32>], vector<16xf32>,
        %parallel_loop3A_389 = arith.index_cast %parallel_loop3A_378 : i32 to index
        %parallel_loop3A_390 = arith.constant 32 : index
        %parallel_loop3A_391 = tpu.vector_load %arg9[%parallel_loop3A_389, %parallel_loop3A_390] {strides = array<i32>} : memref<128x64xf32, #tpu.memory_space<vmem>>, vector<16xf32>,
        %parallel_loop3A_392 = arith.addf %parallel_loop3A_391, %get3A_236 : vector<16xf32>
        tpu.vector_store_idx %arg13[%shift_right_arithmetic3A_22, %and3A_45, %parallel_loop3A_380], %parallel_loop3A_392 : memref<8x8x131xf32, #tpu.memory_space<vmem>>[vector<16xi32>, vector<16xi32>, vector<16xi32>], vector<16xf32>,
        %parallel_loop3A_393 = arith.index_cast %parallel_loop3A_378 : i32 to index
        %parallel_loop3A_394 = arith.constant 48 : index
        %parallel_loop3A_395 = tpu.vector_load %arg9[%parallel_loop3A_393, %parallel_loop3A_394] {strides = array<i32>} : memref<128x64xf32, #tpu.memory_space<vmem>>, vector<16xf32>,
        %parallel_loop3A_396 = arith.addf %parallel_loop3A_395, %get3A_239 : vector<16xf32>
        tpu.vector_store_idx %arg13[%shift_right_arithmetic3A_28, %and3A_51, %parallel_loop3A_380], %parallel_loop3A_396 : memref<8x8x131xf32, #tpu.memory_space<vmem>>[vector<16xi32>, vector<16xi32>, vector<16xi32>], vector<16xf32>,
      } {sc.loop_unroll_factor = 2 : i64, sc.parallel_access}
      %add3A_243 = arith.constant 4 : i32
      %add3A_244 = arith.addi %add3A_216, %add3A_243 : i32
      %lt3A_245 = arith.constant 200 : i32
      %lt3A_246 = arith.cmpi slt, %add3A_244, %lt3A_245 : i32
      %convert_element_type3A_247 = arith.extui %lt3A_246 : i1 to i32
      %cond3A_248 = arith.constant 0 : i32
      %cond3A_249 = arith.cmpi ne, %convert_element_type3A_247, %cond3A_248 : i32
      scf.if %cond3A_249 {
        %add3A_378 = arith.constant 4 : i32
        %add3A_379 = arith.addi %add3A_216, %add3A_378 : i32
        %dma_start3A_380 = arith.constant 0 : i32
        %dma_start3A_381 = tpu.memref_slice %arg6[%add3A_379, %dma_start3A_380] : memref<200x128xi32, #tpu.memory_space<vmem>> -> memref<1x128xi32, #tpu.memory_space<vmem>>
        %dma_start3A_382 = tpu.memref_squeeze %dma_start3A_381 : memref<1x128xi32, #tpu.memory_space<vmem>> -> memref<128xi32, #tpu.memory_space<vmem>>
        %dma_start3A_383 = arith.constant 0 : i32
        %dma_start3A_384 = arith.constant 0 : i32
        %dma_start3A_385 = tpu.memref_slice %arg3[%dma_start3A_383, %dma_start3A_384] : memref<1000000x64xf32, #tpu.memory_space<hbm>> -> memref<1000000x64xf32, #tpu.memory_space<hbm>>
        tpu.enqueue_indirect_dma source(%dma_start3A_385 : memref<1000000x64xf32, #tpu.memory_space<hbm>>) target(%arg9 : memref<128x64xf32, #tpu.memory_space<vmem>>) offsets(%dma_start3A_382 : memref<128xi32, #tpu.memory_space<vmem>>) semaphore(%arg17 : memref<!tpu.dma_semaphore, #tpu.memory_space<semaphore_mem>>)
      } else {
      }
      %dma_start3A_250 = arith.constant 0 : i32
      %dma_start3A_251 = arith.constant 0 : i32
      %dma_start3A_252 = arith.constant 0 : i32
      %dma_start3A_253 = tpu.memref_slice %arg13[%dma_start3A_250, %dma_start3A_251, %dma_start3A_252] : memref<8x8x131xf32, #tpu.memory_space<vmem>> -> memref<8x8x128xf32, #tpu.memory_space<vmem>>
      %dma_start3A_254 = arith.constant 0 : i32
      %dma_start3A_255 = arith.constant 0 : i32
      %dma_start3A_256 = arith.constant 0 : i32
      %dma_start3A_257 = tpu.memref_slice %arg5[%add3A_216, %dma_start3A_254, %add3A, %dma_start3A_255, %dma_start3A_256] : memref<200x8x32x8x128xf32, #tpu.memory_space<hbm>> -> memref<1x8x1x8x128xf32, #tpu.memory_space<hbm>>
      %dma_start3A_258 = tpu.memref_squeeze %dma_start3A_257 : memref<1x8x1x8x128xf32, #tpu.memory_space<hbm>> -> memref<8x8x128xf32, #tpu.memory_space<hbm>>
      %dma_start3A_259 = arith.constant 0 : i32
      %dma_start3A_260 = arith.constant 0 : i32
      %dma_start3A_261 = arith.constant 0 : i32
      %dma_start3A_262 = tpu.memref_slice %arg5[%add3A_216, %dma_start3A_259, %add3A, %dma_start3A_260, %dma_start3A_261] : memref<200x8x32x8x128xf32, #tpu.memory_space<hbm>> -> memref<1x8x1x8x128xf32, #tpu.memory_space<hbm>>
      %dma_start3A_263 = tpu.memref_squeeze %dma_start3A_262 : memref<1x8x1x8x128xf32, #tpu.memory_space<hbm>> -> memref<8x8x128xf32, #tpu.memory_space<hbm>>
      %dma_start3A_264 = arith.constant 0 : i32
      %dma_start3A_265 = arith.constant 0 : i32
      %dma_start3A_266 = arith.constant 0 : i32
      %dma_start3A_267 = tpu.memref_slice %arg13[%dma_start3A_264, %dma_start3A_265, %dma_start3A_266] : memref<8x8x131xf32, #tpu.memory_space<vmem>> -> memref<8x8x128xf32, #tpu.memory_space<vmem>>
      tpu.enqueue_dma source(%dma_start3A_267 : memref<8x8x128xf32, #tpu.memory_space<vmem>>) target(%dma_start3A_263 : memref<8x8x128xf32, #tpu.memory_space<hbm>>) target_semaphore(%arg21 : memref<!tpu.dma_semaphore, #tpu.memory_space<semaphore_mem>>)
      %mul3A_268 = arith.constant 4 : i32
      %mul3A_269 = arith.muli %scan3A_163, %mul3A_268 : i32
      %add3A_270 = arith.constant 2 : i32
      %add3A_271 = arith.addi %mul3A_269, %add3A_270 : i32
      %dma_wait3A_272 = arith.constant 0 : i32
      %dma_wait3A_273 = arith.constant 0 : i32
      %dma_wait3A_274 = tpu.memref_slice %arg3[%dma_wait3A_272, %dma_wait3A_273] : memref<1000000x64xf32, #tpu.memory_space<hbm>> -> memref<128x64xf32, #tpu.memory_space<hbm>>
      %dma_wait3A_275 = arith.constant 0 : i32
      %dma_wait3A_276 = arith.constant 0 : i32
      %dma_wait3A_277 = tpu.memref_slice %arg3[%dma_wait3A_275, %dma_wait3A_276] : memref<1000000x64xf32, #tpu.memory_space<hbm>> -> memref<128x64xf32, #tpu.memory_space<hbm>>
      tpu.wait_dma2 semaphore(%arg18 : memref<!tpu.dma_semaphore, #tpu.memory_space<semaphore_mem>>) src(%dma_wait3A_277 : memref<128x64xf32, #tpu.memory_space<hbm>>) dst(%arg10 : memref<128x64xf32, #tpu.memory_space<vmem>>)
      %gt3A_278 = arith.constant 0 : i32
      %gt3A_279 = arith.cmpi sgt, %scan3A_163, %gt3A_278 : i32
      %convert_element_type3A_280 = arith.extui %gt3A_279 : i1 to i32
      %cond3A_281 = arith.constant 0 : i32
      %cond3A_282 = arith.cmpi ne, %convert_element_type3A_280, %cond3A_281 : i32
      scf.if %cond3A_282 {
        %dma_wait3A_378 = arith.constant 0 : i32
        %dma_wait3A_379 = arith.constant 0 : i32
        %dma_wait3A_380 = arith.constant 0 : i32
        %dma_wait3A_381 = arith.constant 0 : i32
        %dma_wait3A_382 = arith.constant 0 : i32
        %dma_wait3A_383 = tpu.memref_slice %arg14[%dma_wait3A_380, %dma_wait3A_381, %dma_wait3A_382] : memref<8x8x131xf32, #tpu.memory_space<vmem>> -> memref<8x8x128xf32, #tpu.memory_space<vmem>>
        %dma_wait3A_384 = arith.constant 0 : i32
        %dma_wait3A_385 = arith.constant 0 : i32
        %dma_wait3A_386 = arith.constant 0 : i32
        %dma_wait3A_387 = tpu.memref_slice %arg5[%dma_wait3A_378, %dma_wait3A_384, %dma_wait3A_379, %dma_wait3A_385, %dma_wait3A_386] : memref<200x8x32x8x128xf32, #tpu.memory_space<hbm>> -> memref<1x8x1x8x128xf32, #tpu.memory_space<hbm>>
        %dma_wait3A_388 = tpu.memref_squeeze %dma_wait3A_387 : memref<1x8x1x8x128xf32, #tpu.memory_space<hbm>> -> memref<8x8x128xf32, #tpu.memory_space<hbm>>
        %dma_wait3A_389 = arith.constant 0 : i32
        %dma_wait3A_390 = arith.constant 0 : i32
        %dma_wait3A_391 = arith.constant 0 : i32
        %dma_wait3A_392 = tpu.memref_slice %arg14[%dma_wait3A_389, %dma_wait3A_390, %dma_wait3A_391] : memref<8x8x131xf32, #tpu.memory_space<vmem>> -> memref<8x8x128xf32, #tpu.memory_space<vmem>>
        %dma_wait3A_393 = arith.constant 0 : i32
        %dma_wait3A_394 = arith.constant 0 : i32
        %dma_wait3A_395 = arith.constant 0 : i32
        %dma_wait3A_396 = tpu.memref_slice %arg5[%dma_wait3A_378, %dma_wait3A_393, %dma_wait3A_379, %dma_wait3A_394, %dma_wait3A_395] : memref<200x8x32x8x128xf32, #tpu.memory_space<hbm>> -> memref<1x8x1x8x128xf32, #tpu.memory_space<hbm>>
        %dma_wait3A_397 = tpu.memref_squeeze %dma_wait3A_396 : memref<1x8x1x8x128xf32, #tpu.memory_space<hbm>> -> memref<8x8x128xf32, #tpu.memory_space<hbm>>
        tpu.wait_dma2 semaphore(%arg22 : memref<!tpu.dma_semaphore, #tpu.memory_space<semaphore_mem>>) src(%dma_wait3A_397 : memref<8x8x128xf32, #tpu.memory_space<hbm>>) dst(%dma_wait3A_392 : memref<8x8x128xf32, #tpu.memory_space<vmem>>)
      } else {
      }
      %get3A_283 = arith.index_cast %add3A_271 : i32 to index
      %get3A_284 = arith.constant 0 : index
      %get3A_285 = tpu.vector_load %arg7[%get3A_283, %get3A_284] {strides = array<i32>} : memref<200x64xf32, #tpu.memory_space<vmem>>, vector<16xf32>,
      %get3A_286 = arith.index_cast %add3A_271 : i32 to index
      %get3A_287 = arith.constant 16 : index
      %get3A_288 = tpu.vector_load %arg7[%get3A_286, %get3A_287] {strides = array<i32>} : memref<200x64xf32, #tpu.memory_space<vmem>>, vector<16xf32>,
      %get3A_289 = arith.index_cast %add3A_271 : i32 to index
      %get3A_290 = arith.constant 32 : index
      %get3A_291 = tpu.vector_load %arg7[%get3A_289, %get3A_290] {strides = array<i32>} : memref<200x64xf32, #tpu.memory_space<vmem>>, vector<16xf32>,
      %get3A_292 = arith.index_cast %add3A_271 : i32 to index
      %get3A_293 = arith.constant 48 : index
      %get3A_294 = tpu.vector_load %arg7[%get3A_292, %get3A_293] {strides = array<i32>} : memref<200x64xf32, #tpu.memory_space<vmem>>, vector<16xf32>,
      %parallel_loop3A_295 = arith.constant 0 : i32
      %parallel_loop3A_296 = arith.constant 128 : i32
      %parallel_loop3A_297 = arith.constant 1 : i32
      scf.for %parallel_loop3A_378 = %parallel_loop3A_295 to %parallel_loop3A_296 step %parallel_loop3A_297  : i32 {
        %parallel_loop3A_379 = vector.broadcast %parallel_loop3A_378 : i32 to vector<16xi32>
        %parallel_loop3A_380 = arith.addi %mul3A_5, %parallel_loop3A_379 : vector<16xi32>
        %parallel_loop3A_381 = arith.index_cast %parallel_loop3A_378 : i32 to index
        %parallel_loop3A_382 = arith.constant 0 : index
        %parallel_loop3A_383 = tpu.vector_load %arg10[%parallel_loop3A_381, %parallel_loop3A_382] {strides = array<i32>} : memref<128x64xf32, #tpu.memory_space<vmem>>, vector<16xf32>,
        %parallel_loop3A_384 = arith.addf %parallel_loop3A_383, %get3A_285 : vector<16xf32>
        tpu.vector_store_idx %arg14[%shift_right_arithmetic3A_10, %and3A_33, %parallel_loop3A_380], %parallel_loop3A_384 : memref<8x8x131xf32, #tpu.memory_space<vmem>>[vector<16xi32>, vector<16xi32>, vector<16xi32>], vector<16xf32>,
        %parallel_loop3A_385 = arith.index_cast %parallel_loop3A_378 : i32 to index
        %parallel_loop3A_386 = arith.constant 16 : index
        %parallel_loop3A_387 = tpu.vector_load %arg10[%parallel_loop3A_385, %parallel_loop3A_386] {strides = array<i32>} : memref<128x64xf32, #tpu.memory_space<vmem>>, vector<16xf32>,
        %parallel_loop3A_388 = arith.addf %parallel_loop3A_387, %get3A_288 : vector<16xf32>
        tpu.vector_store_idx %arg14[%shift_right_arithmetic3A_16, %and3A_39, %parallel_loop3A_380], %parallel_loop3A_388 : memref<8x8x131xf32, #tpu.memory_space<vmem>>[vector<16xi32>, vector<16xi32>, vector<16xi32>], vector<16xf32>,
        %parallel_loop3A_389 = arith.index_cast %parallel_loop3A_378 : i32 to index
        %parallel_loop3A_390 = arith.constant 32 : index
        %parallel_loop3A_391 = tpu.vector_load %arg10[%parallel_loop3A_389, %parallel_loop3A_390] {strides = array<i32>} : memref<128x64xf32, #tpu.memory_space<vmem>>, vector<16xf32>,
        %parallel_loop3A_392 = arith.addf %parallel_loop3A_391, %get3A_291 : vector<16xf32>
        tpu.vector_store_idx %arg14[%shift_right_arithmetic3A_22, %and3A_45, %parallel_loop3A_380], %parallel_loop3A_392 : memref<8x8x131xf32, #tpu.memory_space<vmem>>[vector<16xi32>, vector<16xi32>, vector<16xi32>], vector<16xf32>,
        %parallel_loop3A_393 = arith.index_cast %parallel_loop3A_378 : i32 to index
        %parallel_loop3A_394 = arith.constant 48 : index
        %parallel_loop3A_395 = tpu.vector_load %arg10[%parallel_loop3A_393, %parallel_loop3A_394] {strides = array<i32>} : memref<128x64xf32, #tpu.memory_space<vmem>>, vector<16xf32>,
        %parallel_loop3A_396 = arith.addf %parallel_loop3A_395, %get3A_294 : vector<16xf32>
        tpu.vector_store_idx %arg14[%shift_right_arithmetic3A_28, %and3A_51, %parallel_loop3A_380], %parallel_loop3A_396 : memref<8x8x131xf32, #tpu.memory_space<vmem>>[vector<16xi32>, vector<16xi32>, vector<16xi32>], vector<16xf32>,
      } {sc.loop_unroll_factor = 2 : i64, sc.parallel_access}
      %add3A_298 = arith.constant 4 : i32
      %add3A_299 = arith.addi %add3A_271, %add3A_298 : i32
      %lt3A_300 = arith.constant 200 : i32
      %lt3A_301 = arith.cmpi slt, %add3A_299, %lt3A_300 : i32
      %convert_element_type3A_302 = arith.extui %lt3A_301 : i1 to i32
      %cond3A_303 = arith.constant 0 : i32
      %cond3A_304 = arith.cmpi ne, %convert_element_type3A_302, %cond3A_303 : i32
      scf.if %cond3A_304 {
        %add3A_378 = arith.constant 4 : i32
        %add3A_379 = arith.addi %add3A_271, %add3A_378 : i32
        %dma_start3A_380 = arith.constant 0 : i32
        %dma_start3A_381 = tpu.memref_slice %arg6[%add3A_379, %dma_start3A_380] : memref<200x128xi32, #tpu.memory_space<vmem>> -> memref<1x128xi32, #tpu.memory_space<vmem>>
        %dma_start3A_382 = tpu.memref_squeeze %dma_start3A_381 : memref<1x128xi32, #tpu.memory_space<vmem>> -> memref<128xi32, #tpu.memory_space<vmem>>
        %dma_start3A_383 = arith.constant 0 : i32
        %dma_start3A_384 = arith.constant 0 : i32
        %dma_start3A_385 = tpu.memref_slice %arg3[%dma_start3A_383, %dma_start3A_384] : memref<1000000x64xf32, #tpu.memory_space<hbm>> -> memref<1000000x64xf32, #tpu.memory_space<hbm>>
        tpu.enqueue_indirect_dma source(%dma_start3A_385 : memref<1000000x64xf32, #tpu.memory_space<hbm>>) target(%arg10 : memref<128x64xf32, #tpu.memory_space<vmem>>) offsets(%dma_start3A_382 : memref<128xi32, #tpu.memory_space<vmem>>) semaphore(%arg18 : memref<!tpu.dma_semaphore, #tpu.memory_space<semaphore_mem>>)
      } else {
      }
      %dma_start3A_305 = arith.constant 0 : i32
      %dma_start3A_306 = arith.constant 0 : i32
      %dma_start3A_307 = arith.constant 0 : i32
      %dma_start3A_308 = tpu.memref_slice %arg14[%dma_start3A_305, %dma_start3A_306, %dma_start3A_307] : memref<8x8x131xf32, #tpu.memory_space<vmem>> -> memref<8x8x128xf32, #tpu.memory_space<vmem>>
      %dma_start3A_309 = arith.constant 0 : i32
      %dma_start3A_310 = arith.constant 0 : i32
      %dma_start3A_311 = arith.constant 0 : i32
      %dma_start3A_312 = tpu.memref_slice %arg5[%add3A_271, %dma_start3A_309, %add3A, %dma_start3A_310, %dma_start3A_311] : memref<200x8x32x8x128xf32, #tpu.memory_space<hbm>> -> memref<1x8x1x8x128xf32, #tpu.memory_space<hbm>>
      %dma_start3A_313 = tpu.memref_squeeze %dma_start3A_312 : memref<1x8x1x8x128xf32, #tpu.memory_space<hbm>> -> memref<8x8x128xf32, #tpu.memory_space<hbm>>
      %dma_start3A_314 = arith.constant 0 : i32
      %dma_start3A_315 = arith.constant 0 : i32
      %dma_start3A_316 = arith.constant 0 : i32
      %dma_start3A_317 = tpu.memref_slice %arg5[%add3A_271, %dma_start3A_314, %add3A, %dma_start3A_315, %dma_start3A_316] : memref<200x8x32x8x128xf32, #tpu.memory_space<hbm>> -> memref<1x8x1x8x128xf32, #tpu.memory_space<hbm>>
      %dma_start3A_318 = tpu.memref_squeeze %dma_start3A_317 : memref<1x8x1x8x128xf32, #tpu.memory_space<hbm>> -> memref<8x8x128xf32, #tpu.memory_space<hbm>>
      %dma_start3A_319 = arith.constant 0 : i32
      %dma_start3A_320 = arith.constant 0 : i32
      %dma_start3A_321 = arith.constant 0 : i32
      %dma_start3A_322 = tpu.memref_slice %arg14[%dma_start3A_319, %dma_start3A_320, %dma_start3A_321] : memref<8x8x131xf32, #tpu.memory_space<vmem>> -> memref<8x8x128xf32, #tpu.memory_space<vmem>>
      tpu.enqueue_dma source(%dma_start3A_322 : memref<8x8x128xf32, #tpu.memory_space<vmem>>) target(%dma_start3A_318 : memref<8x8x128xf32, #tpu.memory_space<hbm>>) target_semaphore(%arg22 : memref<!tpu.dma_semaphore, #tpu.memory_space<semaphore_mem>>)
      %mul3A_323 = arith.constant 4 : i32
      %mul3A_324 = arith.muli %scan3A_163, %mul3A_323 : i32
      %add3A_325 = arith.constant 3 : i32
      %add3A_326 = arith.addi %mul3A_324, %add3A_325 : i32
      %dma_wait3A_327 = arith.constant 0 : i32
      %dma_wait3A_328 = arith.constant 0 : i32
      %dma_wait3A_329 = tpu.memref_slice %arg3[%dma_wait3A_327, %dma_wait3A_328] : memref<1000000x64xf32, #tpu.memory_space<hbm>> -> memref<128x64xf32, #tpu.memory_space<hbm>>
      %dma_wait3A_330 = arith.constant 0 : i32
      %dma_wait3A_331 = arith.constant 0 : i32
      %dma_wait3A_332 = tpu.memref_slice %arg3[%dma_wait3A_330, %dma_wait3A_331] : memref<1000000x64xf32, #tpu.memory_space<hbm>> -> memref<128x64xf32, #tpu.memory_space<hbm>>
      tpu.wait_dma2 semaphore(%arg19 : memref<!tpu.dma_semaphore, #tpu.memory_space<semaphore_mem>>) src(%dma_wait3A_332 : memref<128x64xf32, #tpu.memory_space<hbm>>) dst(%arg11 : memref<128x64xf32, #tpu.memory_space<vmem>>)
      %gt3A_333 = arith.constant 0 : i32
      %gt3A_334 = arith.cmpi sgt, %scan3A_163, %gt3A_333 : i32
      %convert_element_type3A_335 = arith.extui %gt3A_334 : i1 to i32
      %cond3A_336 = arith.constant 0 : i32
      %cond3A_337 = arith.cmpi ne, %convert_element_type3A_335, %cond3A_336 : i32
      scf.if %cond3A_337 {
        %dma_wait3A_378 = arith.constant 0 : i32
        %dma_wait3A_379 = arith.constant 0 : i32
        %dma_wait3A_380 = arith.constant 0 : i32
        %dma_wait3A_381 = arith.constant 0 : i32
        %dma_wait3A_382 = arith.constant 0 : i32
        %dma_wait3A_383 = tpu.memref_slice %arg15[%dma_wait3A_380, %dma_wait3A_381, %dma_wait3A_382] : memref<8x8x131xf32, #tpu.memory_space<vmem>> -> memref<8x8x128xf32, #tpu.memory_space<vmem>>
        %dma_wait3A_384 = arith.constant 0 : i32
        %dma_wait3A_385 = arith.constant 0 : i32
        %dma_wait3A_386 = arith.constant 0 : i32
        %dma_wait3A_387 = tpu.memref_slice %arg5[%dma_wait3A_378, %dma_wait3A_384, %dma_wait3A_379, %dma_wait3A_385, %dma_wait3A_386] : memref<200x8x32x8x128xf32, #tpu.memory_space<hbm>> -> memref<1x8x1x8x128xf32, #tpu.memory_space<hbm>>
        %dma_wait3A_388 = tpu.memref_squeeze %dma_wait3A_387 : memref<1x8x1x8x128xf32, #tpu.memory_space<hbm>> -> memref<8x8x128xf32, #tpu.memory_space<hbm>>
        %dma_wait3A_389 = arith.constant 0 : i32
        %dma_wait3A_390 = arith.constant 0 : i32
        %dma_wait3A_391 = arith.constant 0 : i32
        %dma_wait3A_392 = tpu.memref_slice %arg15[%dma_wait3A_389, %dma_wait3A_390, %dma_wait3A_391] : memref<8x8x131xf32, #tpu.memory_space<vmem>> -> memref<8x8x128xf32, #tpu.memory_space<vmem>>
        %dma_wait3A_393 = arith.constant 0 : i32
        %dma_wait3A_394 = arith.constant 0 : i32
        %dma_wait3A_395 = arith.constant 0 : i32
        %dma_wait3A_396 = tpu.memref_slice %arg5[%dma_wait3A_378, %dma_wait3A_393, %dma_wait3A_379, %dma_wait3A_394, %dma_wait3A_395] : memref<200x8x32x8x128xf32, #tpu.memory_space<hbm>> -> memref<1x8x1x8x128xf32, #tpu.memory_space<hbm>>
        %dma_wait3A_397 = tpu.memref_squeeze %dma_wait3A_396 : memref<1x8x1x8x128xf32, #tpu.memory_space<hbm>> -> memref<8x8x128xf32, #tpu.memory_space<hbm>>
        tpu.wait_dma2 semaphore(%arg23 : memref<!tpu.dma_semaphore, #tpu.memory_space<semaphore_mem>>) src(%dma_wait3A_397 : memref<8x8x128xf32, #tpu.memory_space<hbm>>) dst(%dma_wait3A_392 : memref<8x8x128xf32, #tpu.memory_space<vmem>>)
      } else {
      }
      %get3A_338 = arith.index_cast %add3A_326 : i32 to index
      %get3A_339 = arith.constant 0 : index
      %get3A_340 = tpu.vector_load %arg7[%get3A_338, %get3A_339] {strides = array<i32>} : memref<200x64xf32, #tpu.memory_space<vmem>>, vector<16xf32>,
      %get3A_341 = arith.index_cast %add3A_326 : i32 to index
      %get3A_342 = arith.constant 16 : index
      %get3A_343 = tpu.vector_load %arg7[%get3A_341, %get3A_342] {strides = array<i32>} : memref<200x64xf32, #tpu.memory_space<vmem>>, vector<16xf32>,
      %get3A_344 = arith.index_cast %add3A_326 : i32 to index
      %get3A_345 = arith.constant 32 : index
      %get3A_346 = tpu.vector_load %arg7[%get3A_344, %get3A_345] {strides = array<i32>} : memref<200x64xf32, #tpu.memory_space<vmem>>, vector<16xf32>,
      %get3A_347 = arith.index_cast %add3A_326 : i32 to index
      %get3A_348 = arith.constant 48 : index
      %get3A_349 = tpu.vector_load %arg7[%get3A_347, %get3A_348] {strides = array<i32>} : memref<200x64xf32, #tpu.memory_space<vmem>>, vector<16xf32>,
      %parallel_loop3A_350 = arith.constant 0 : i32
      %parallel_loop3A_351 = arith.constant 128 : i32
      %parallel_loop3A_352 = arith.constant 1 : i32
      scf.for %parallel_loop3A_378 = %parallel_loop3A_350 to %parallel_loop3A_351 step %parallel_loop3A_352  : i32 {
        %parallel_loop3A_379 = vector.broadcast %parallel_loop3A_378 : i32 to vector<16xi32>
        %parallel_loop3A_380 = arith.addi %mul3A_5, %parallel_loop3A_379 : vector<16xi32>
        %parallel_loop3A_381 = arith.index_cast %parallel_loop3A_378 : i32 to index
        %parallel_loop3A_382 = arith.constant 0 : index
        %parallel_loop3A_383 = tpu.vector_load %arg11[%parallel_loop3A_381, %parallel_loop3A_382] {strides = array<i32>} : memref<128x64xf32, #tpu.memory_space<vmem>>, vector<16xf32>,
        %parallel_loop3A_384 = arith.addf %parallel_loop3A_383, %get3A_340 : vector<16xf32>
        tpu.vector_store_idx %arg15[%shift_right_arithmetic3A_10, %and3A_33, %parallel_loop3A_380], %parallel_loop3A_384 : memref<8x8x131xf32, #tpu.memory_space<vmem>>[vector<16xi32>, vector<16xi32>, vector<16xi32>], vector<16xf32>,
        %parallel_loop3A_385 = arith.index_cast %parallel_loop3A_378 : i32 to index
        %parallel_loop3A_386 = arith.constant 16 : index
        %parallel_loop3A_387 = tpu.vector_load %arg11[%parallel_loop3A_385, %parallel_loop3A_386] {strides = array<i32>} : memref<128x64xf32, #tpu.memory_space<vmem>>, vector<16xf32>,
        %parallel_loop3A_388 = arith.addf %parallel_loop3A_387, %get3A_343 : vector<16xf32>
        tpu.vector_store_idx %arg15[%shift_right_arithmetic3A_16, %and3A_39, %parallel_loop3A_380], %parallel_loop3A_388 : memref<8x8x131xf32, #tpu.memory_space<vmem>>[vector<16xi32>, vector<16xi32>, vector<16xi32>], vector<16xf32>,
        %parallel_loop3A_389 = arith.index_cast %parallel_loop3A_378 : i32 to index
        %parallel_loop3A_390 = arith.constant 32 : index
        %parallel_loop3A_391 = tpu.vector_load %arg11[%parallel_loop3A_389, %parallel_loop3A_390] {strides = array<i32>} : memref<128x64xf32, #tpu.memory_space<vmem>>, vector<16xf32>,
        %parallel_loop3A_392 = arith.addf %parallel_loop3A_391, %get3A_346 : vector<16xf32>
        tpu.vector_store_idx %arg15[%shift_right_arithmetic3A_22, %and3A_45, %parallel_loop3A_380], %parallel_loop3A_392 : memref<8x8x131xf32, #tpu.memory_space<vmem>>[vector<16xi32>, vector<16xi32>, vector<16xi32>], vector<16xf32>,
        %parallel_loop3A_393 = arith.index_cast %parallel_loop3A_378 : i32 to index
        %parallel_loop3A_394 = arith.constant 48 : index
        %parallel_loop3A_395 = tpu.vector_load %arg11[%parallel_loop3A_393, %parallel_loop3A_394] {strides = array<i32>} : memref<128x64xf32, #tpu.memory_space<vmem>>, vector<16xf32>,
        %parallel_loop3A_396 = arith.addf %parallel_loop3A_395, %get3A_349 : vector<16xf32>
        tpu.vector_store_idx %arg15[%shift_right_arithmetic3A_28, %and3A_51, %parallel_loop3A_380], %parallel_loop3A_396 : memref<8x8x131xf32, #tpu.memory_space<vmem>>[vector<16xi32>, vector<16xi32>, vector<16xi32>], vector<16xf32>,
      } {sc.loop_unroll_factor = 2 : i64, sc.parallel_access}
      %add3A_353 = arith.constant 4 : i32
      %add3A_354 = arith.addi %add3A_326, %add3A_353 : i32
      %lt3A_355 = arith.constant 200 : i32
      %lt3A_356 = arith.cmpi slt, %add3A_354, %lt3A_355 : i32
      %convert_element_type3A_357 = arith.extui %lt3A_356 : i1 to i32
      %cond3A_358 = arith.constant 0 : i32
      %cond3A_359 = arith.cmpi ne, %convert_element_type3A_357, %cond3A_358 : i32
      scf.if %cond3A_359 {
        %add3A_378 = arith.constant 4 : i32
        %add3A_379 = arith.addi %add3A_326, %add3A_378 : i32
        %dma_start3A_380 = arith.constant 0 : i32
        %dma_start3A_381 = tpu.memref_slice %arg6[%add3A_379, %dma_start3A_380] : memref<200x128xi32, #tpu.memory_space<vmem>> -> memref<1x128xi32, #tpu.memory_space<vmem>>
        %dma_start3A_382 = tpu.memref_squeeze %dma_start3A_381 : memref<1x128xi32, #tpu.memory_space<vmem>> -> memref<128xi32, #tpu.memory_space<vmem>>
        %dma_start3A_383 = arith.constant 0 : i32
        %dma_start3A_384 = arith.constant 0 : i32
        %dma_start3A_385 = tpu.memref_slice %arg3[%dma_start3A_383, %dma_start3A_384] : memref<1000000x64xf32, #tpu.memory_space<hbm>> -> memref<1000000x64xf32, #tpu.memory_space<hbm>>
        tpu.enqueue_indirect_dma source(%dma_start3A_385 : memref<1000000x64xf32, #tpu.memory_space<hbm>>) target(%arg11 : memref<128x64xf32, #tpu.memory_space<vmem>>) offsets(%dma_start3A_382 : memref<128xi32, #tpu.memory_space<vmem>>) semaphore(%arg19 : memref<!tpu.dma_semaphore, #tpu.memory_space<semaphore_mem>>)
      } else {
      }
      %dma_start3A_360 = arith.constant 0 : i32
      %dma_start3A_361 = arith.constant 0 : i32
      %dma_start3A_362 = arith.constant 0 : i32
      %dma_start3A_363 = tpu.memref_slice %arg15[%dma_start3A_360, %dma_start3A_361, %dma_start3A_362] : memref<8x8x131xf32, #tpu.memory_space<vmem>> -> memref<8x8x128xf32, #tpu.memory_space<vmem>>
      %dma_start3A_364 = arith.constant 0 : i32
      %dma_start3A_365 = arith.constant 0 : i32
      %dma_start3A_366 = arith.constant 0 : i32
      %dma_start3A_367 = tpu.memref_slice %arg5[%add3A_326, %dma_start3A_364, %add3A, %dma_start3A_365, %dma_start3A_366] : memref<200x8x32x8x128xf32, #tpu.memory_space<hbm>> -> memref<1x8x1x8x128xf32, #tpu.memory_space<hbm>>
      %dma_start3A_368 = tpu.memref_squeeze %dma_start3A_367 : memref<1x8x1x8x128xf32, #tpu.memory_space<hbm>> -> memref<8x8x128xf32, #tpu.memory_space<hbm>>
      %dma_start3A_369 = arith.constant 0 : i32
      %dma_start3A_370 = arith.constant 0 : i32
      %dma_start3A_371 = arith.constant 0 : i32
      %dma_start3A_372 = tpu.memref_slice %arg5[%add3A_326, %dma_start3A_369, %add3A, %dma_start3A_370, %dma_start3A_371] : memref<200x8x32x8x128xf32, #tpu.memory_space<hbm>> -> memref<1x8x1x8x128xf32, #tpu.memory_space<hbm>>
      %dma_start3A_373 = tpu.memref_squeeze %dma_start3A_372 : memref<1x8x1x8x128xf32, #tpu.memory_space<hbm>> -> memref<8x8x128xf32, #tpu.memory_space<hbm>>
      %dma_start3A_374 = arith.constant 0 : i32
      %dma_start3A_375 = arith.constant 0 : i32
      %dma_start3A_376 = arith.constant 0 : i32
      %dma_start3A_377 = tpu.memref_slice %arg15[%dma_start3A_374, %dma_start3A_375, %dma_start3A_376] : memref<8x8x131xf32, #tpu.memory_space<vmem>> -> memref<8x8x128xf32, #tpu.memory_space<vmem>>
      tpu.enqueue_dma source(%dma_start3A_377 : memref<8x8x128xf32, #tpu.memory_space<vmem>>) target(%dma_start3A_373 : memref<8x8x128xf32, #tpu.memory_space<hbm>>) target_semaphore(%arg23 : memref<!tpu.dma_semaphore, #tpu.memory_space<semaphore_mem>>)
    }
    %scan3A_83 = arith.constant 50 : i32
    %dma_wait3A = arith.constant 0 : i32
    %dma_wait3A_84 = arith.constant 0 : i32
    %dma_wait3A_85 = arith.constant 0 : i32
    %dma_wait3A_86 = arith.constant 0 : i32
    %dma_wait3A_87 = arith.constant 0 : i32
    %dma_wait3A_88 = tpu.memref_slice %arg12[%dma_wait3A_85, %dma_wait3A_86, %dma_wait3A_87] : memref<8x8x131xf32, #tpu.memory_space<vmem>> -> memref<8x8x128xf32, #tpu.memory_space<vmem>>
    %dma_wait3A_89 = arith.constant 0 : i32
    %dma_wait3A_90 = arith.constant 0 : i32
    %dma_wait3A_91 = arith.constant 0 : i32
    %dma_wait3A_92 = tpu.memref_slice %arg5[%dma_wait3A, %dma_wait3A_89, %dma_wait3A_84, %dma_wait3A_90, %dma_wait3A_91] : memref<200x8x32x8x128xf32, #tpu.memory_space<hbm>> -> memref<1x8x1x8x128xf32, #tpu.memory_space<hbm>>
    %dma_wait3A_93 = tpu.memref_squeeze %dma_wait3A_92 : memref<1x8x1x8x128xf32, #tpu.memory_space<hbm>> -> memref<8x8x128xf32, #tpu.memory_space<hbm>>
    %dma_wait3A_94 = arith.constant 0 : i32
    %dma_wait3A_95 = arith.constant 0 : i32
    %dma_wait3A_96 = arith.constant 0 : i32
    %dma_wait3A_97 = tpu.memref_slice %arg12[%dma_wait3A_94, %dma_wait3A_95, %dma_wait3A_96] : memref<8x8x131xf32, #tpu.memory_space<vmem>> -> memref<8x8x128xf32, #tpu.memory_space<vmem>>
    %dma_wait3A_98 = arith.constant 0 : i32
    %dma_wait3A_99 = arith.constant 0 : i32
    %dma_wait3A_100 = arith.constant 0 : i32
    %dma_wait3A_101 = tpu.memref_slice %arg5[%dma_wait3A, %dma_wait3A_98, %dma_wait3A_84, %dma_wait3A_99, %dma_wait3A_100] : memref<200x8x32x8x128xf32, #tpu.memory_space<hbm>> -> memref<1x8x1x8x128xf32, #tpu.memory_space<hbm>>
    %dma_wait3A_102 = tpu.memref_squeeze %dma_wait3A_101 : memref<1x8x1x8x128xf32, #tpu.memory_space<hbm>> -> memref<8x8x128xf32, #tpu.memory_space<hbm>>
    tpu.wait_dma2 semaphore(%arg20 : memref<!tpu.dma_semaphore, #tpu.memory_space<semaphore_mem>>) src(%dma_wait3A_102 : memref<8x8x128xf32, #tpu.memory_space<hbm>>) dst(%dma_wait3A_97 : memref<8x8x128xf32, #tpu.memory_space<vmem>>)
    %dma_wait3A_103 = arith.constant 0 : i32
    %dma_wait3A_104 = arith.constant 0 : i32
    %dma_wait3A_105 = arith.constant 0 : i32
    %dma_wait3A_106 = arith.constant 0 : i32
    %dma_wait3A_107 = arith.constant 0 : i32
    %dma_wait3A_108 = tpu.memref_slice %arg13[%dma_wait3A_105, %dma_wait3A_106, %dma_wait3A_107] : memref<8x8x131xf32, #tpu.memory_space<vmem>> -> memref<8x8x128xf32, #tpu.memory_space<vmem>>
    %dma_wait3A_109 = arith.constant 0 : i32
    %dma_wait3A_110 = arith.constant 0 : i32
    %dma_wait3A_111 = arith.constant 0 : i32
    %dma_wait3A_112 = tpu.memref_slice %arg5[%dma_wait3A_103, %dma_wait3A_109, %dma_wait3A_104, %dma_wait3A_110, %dma_wait3A_111] : memref<200x8x32x8x128xf32, #tpu.memory_space<hbm>> -> memref<1x8x1x8x128xf32, #tpu.memory_space<hbm>>
    %dma_wait3A_113 = tpu.memref_squeeze %dma_wait3A_112 : memref<1x8x1x8x128xf32, #tpu.memory_space<hbm>> -> memref<8x8x128xf32, #tpu.memory_space<hbm>>
    %dma_wait3A_114 = arith.constant 0 : i32
    %dma_wait3A_115 = arith.constant 0 : i32
    %dma_wait3A_116 = arith.constant 0 : i32
    %dma_wait3A_117 = tpu.memref_slice %arg13[%dma_wait3A_114, %dma_wait3A_115, %dma_wait3A_116] : memref<8x8x131xf32, #tpu.memory_space<vmem>> -> memref<8x8x128xf32, #tpu.memory_space<vmem>>
    %dma_wait3A_118 = arith.constant 0 : i32
    %dma_wait3A_119 = arith.constant 0 : i32
    %dma_wait3A_120 = arith.constant 0 : i32
    %dma_wait3A_121 = tpu.memref_slice %arg5[%dma_wait3A_103, %dma_wait3A_118, %dma_wait3A_104, %dma_wait3A_119, %dma_wait3A_120] : memref<200x8x32x8x128xf32, #tpu.memory_space<hbm>> -> memref<1x8x1x8x128xf32, #tpu.memory_space<hbm>>
    %dma_wait3A_122 = tpu.memref_squeeze %dma_wait3A_121 : memref<1x8x1x8x128xf32, #tpu.memory_space<hbm>> -> memref<8x8x128xf32, #tpu.memory_space<hbm>>
    tpu.wait_dma2 semaphore(%arg21 : memref<!tpu.dma_semaphore, #tpu.memory_space<semaphore_mem>>) src(%dma_wait3A_122 : memref<8x8x128xf32, #tpu.memory_space<hbm>>) dst(%dma_wait3A_117 : memref<8x8x128xf32, #tpu.memory_space<vmem>>)
    %dma_wait3A_123 = arith.constant 0 : i32
    %dma_wait3A_124 = arith.constant 0 : i32
    %dma_wait3A_125 = arith.constant 0 : i32
    %dma_wait3A_126 = arith.constant 0 : i32
    %dma_wait3A_127 = arith.constant 0 : i32
    %dma_wait3A_128 = tpu.memref_slice %arg14[%dma_wait3A_125, %dma_wait3A_126, %dma_wait3A_127] : memref<8x8x131xf32, #tpu.memory_space<vmem>> -> memref<8x8x128xf32, #tpu.memory_space<vmem>>
    %dma_wait3A_129 = arith.constant 0 : i32
    %dma_wait3A_130 = arith.constant 0 : i32
    %dma_wait3A_131 = arith.constant 0 : i32
    %dma_wait3A_132 = tpu.memref_slice %arg5[%dma_wait3A_123, %dma_wait3A_129, %dma_wait3A_124, %dma_wait3A_130, %dma_wait3A_131] : memref<200x8x32x8x128xf32, #tpu.memory_space<hbm>> -> memref<1x8x1x8x128xf32, #tpu.memory_space<hbm>>
    %dma_wait3A_133 = tpu.memref_squeeze %dma_wait3A_132 : memref<1x8x1x8x128xf32, #tpu.memory_space<hbm>> -> memref<8x8x128xf32, #tpu.memory_space<hbm>>
    %dma_wait3A_134 = arith.constant 0 : i32
    %dma_wait3A_135 = arith.constant 0 : i32
    %dma_wait3A_136 = arith.constant 0 : i32
    %dma_wait3A_137 = tpu.memref_slice %arg14[%dma_wait3A_134, %dma_wait3A_135, %dma_wait3A_136] : memref<8x8x131xf32, #tpu.memory_space<vmem>> -> memref<8x8x128xf32, #tpu.memory_space<vmem>>
    %dma_wait3A_138 = arith.constant 0 : i32
    %dma_wait3A_139 = arith.constant 0 : i32
    %dma_wait3A_140 = arith.constant 0 : i32
    %dma_wait3A_141 = tpu.memref_slice %arg5[%dma_wait3A_123, %dma_wait3A_138, %dma_wait3A_124, %dma_wait3A_139, %dma_wait3A_140] : memref<200x8x32x8x128xf32, #tpu.memory_space<hbm>> -> memref<1x8x1x8x128xf32, #tpu.memory_space<hbm>>
    %dma_wait3A_142 = tpu.memref_squeeze %dma_wait3A_141 : memref<1x8x1x8x128xf32, #tpu.memory_space<hbm>> -> memref<8x8x128xf32, #tpu.memory_space<hbm>>
    tpu.wait_dma2 semaphore(%arg22 : memref<!tpu.dma_semaphore, #tpu.memory_space<semaphore_mem>>) src(%dma_wait3A_142 : memref<8x8x128xf32, #tpu.memory_space<hbm>>) dst(%dma_wait3A_137 : memref<8x8x128xf32, #tpu.memory_space<vmem>>)
    %dma_wait3A_143 = arith.constant 0 : i32
    %dma_wait3A_144 = arith.constant 0 : i32
    %dma_wait3A_145 = arith.constant 0 : i32
    %dma_wait3A_146 = arith.constant 0 : i32
    %dma_wait3A_147 = arith.constant 0 : i32
    %dma_wait3A_148 = tpu.memref_slice %arg15[%dma_wait3A_145, %dma_wait3A_146, %dma_wait3A_147] : memref<8x8x131xf32, #tpu.memory_space<vmem>> -> memref<8x8x128xf32, #tpu.memory_space<vmem>>
    %dma_wait3A_149 = arith.constant 0 : i32
    %dma_wait3A_150 = arith.constant 0 : i32
    %dma_wait3A_151 = arith.constant 0 : i32
    %dma_wait3A_152 = tpu.memref_slice %arg5[%dma_wait3A_143, %dma_wait3A_149, %dma_wait3A_144, %dma_wait3A_150, %dma_wait3A_151] : memref<200x8x32x8x128xf32, #tpu.memory_space<hbm>> -> memref<1x8x1x8x128xf32, #tpu.memory_space<hbm>>
    %dma_wait3A_153 = tpu.memref_squeeze %dma_wait3A_152 : memref<1x8x1x8x128xf32, #tpu.memory_space<hbm>> -> memref<8x8x128xf32, #tpu.memory_space<hbm>>
    %dma_wait3A_154 = arith.constant 0 : i32
    %dma_wait3A_155 = arith.constant 0 : i32
    %dma_wait3A_156 = arith.constant 0 : i32
    %dma_wait3A_157 = tpu.memref_slice %arg15[%dma_wait3A_154, %dma_wait3A_155, %dma_wait3A_156] : memref<8x8x131xf32, #tpu.memory_space<vmem>> -> memref<8x8x128xf32, #tpu.memory_space<vmem>>
    %dma_wait3A_158 = arith.constant 0 : i32
    %dma_wait3A_159 = arith.constant 0 : i32
    %dma_wait3A_160 = arith.constant 0 : i32
    %dma_wait3A_161 = tpu.memref_slice %arg5[%dma_wait3A_143, %dma_wait3A_158, %dma_wait3A_144, %dma_wait3A_159, %dma_wait3A_160] : memref<200x8x32x8x128xf32, #tpu.memory_space<hbm>> -> memref<1x8x1x8x128xf32, #tpu.memory_space<hbm>>
    %dma_wait3A_162 = tpu.memref_squeeze %dma_wait3A_161 : memref<1x8x1x8x128xf32, #tpu.memory_space<hbm>> -> memref<8x8x128xf32, #tpu.memory_space<hbm>>
    tpu.wait_dma2 semaphore(%arg23 : memref<!tpu.dma_semaphore, #tpu.memory_space<semaphore_mem>>) src(%dma_wait3A_162 : memref<8x8x128xf32, #tpu.memory_space<hbm>>) dst(%dma_wait3A_157 : memref<8x8x128xf32, #tpu.memory_space<vmem>>)
    return
  }
}

</mosaic_0001>

<sc_bundles>
// kernel: kernel.3.cloned.1.call-start
scs
__scs_entry_jumppad:
0x0: {  	(pc) =	sbr.rel $0x88, $3  }
0x1: {  	(tag) =	ssettag $0x0;
	lr =	simm.s32 $0x1  }
0x2: {  	[smem:$0x3F9E] =	sst lr;
	_ =	strace $0xD0000000  }
0x3: {  	_ = 	snop  }
0x4: {  	_ = 	snop  }
0x5: {  	_ = 	snop  }
0x6: {  	_ = 	snop  }
0x7: {  	_ = 	snop  }
__scs_overlays_trampoline_lowered:
0x8: {  	[smem:$0x3FAD] =	sst s0  }
0x9: {  	[smem:$0x3FAE] =	sst s1  }
0xa: {  	[smem:$0x3FAF] =	sst s2  }
0xb: {  	[smem:$0x3FB0] =	sst s3  }
0xc: {  	[smem:$0x3FB1] =	sst s4  }
0xd: {  	[smem:$0x3FB2] =	sst s5  }
0xe: {  	[smem:$0x3FB3] =	sst s6  }
0xf: {  	[smem:$0x3FB4] =	sst s7  }
0x10: {  	[smem:$0x3FB5] =	sst s8  }
0x11: {  	[smem:$0x3FB6] =	sst s9;
	s0 =	simm.s32 @!p0 $0x0  }
0x12: {  	s1 =	sld [smem:$0x3F9C];
	s0 =	simm.s32 @p0 $0x1  }
0x13: {  	[smem:$0x3FB7] =	sst s0;
	s0 =	simm.s32 @!p1 $0x0  }
0x14: {  	s2 =	sld [smem:$0x3F9B];
	s0 =	simm.s32 @p1 $0x1  }
0x15: {  	[smem:$0x3FB8] =	sst s0;
	s0 =	simm.s32 @!p2 $0x0  }
0x16: {  	s3 =	sld [smem:$0x3FDB];
	s0 =	simm.s32 @p2 $0x1  }
0x17: {  	s4 =	simm.s32 $0x1BF5;
	[smem:$0x3FBA] =	sst s0  }
0x18: {  	s0 =	sld [smem:$0x3F9D];
	_ =	swait.ge [sflag:s4], $0x0  }
0x19: {  	s7 =	sld [smem:$0x3F9E]  }
0x1a: {  	s8 =	sadd.s32 $0xFFFFE003, lr  }
0x1b: {  	s9 =	sadd.s32 $0xFFFFFEF7, lr;
	s5 =	simm.s32 $0xFFFFFFFF;
	p2 =	slt.u32 s8, $0xFFFFF086  }
0x1c: {  	p1 =	slt.u32 s9, $0xF7A;
	s5 =	simm.s32 @!p2 $0x0  }
0x1d: {  	s5 =	simm.s32 @p1 $0x1;
	p0 =	seq.s32 s7, s2  }
0x1e: {  	s7 =	smul.u32 @!p0 $0xF7A, s2;
	p2 =	seq.s32 @!p0 s5, $0x0  }
0x1f: {  	s9 =	smul.u32 $0xF7A, s1;
	s8 =	simm.s32 @!p0 $0x1BF5;
	p2 =	por !p2, p0  }
0x20: {  	[sflag:s8] =	ssyncset.s32 @!p0 $0xFFFFF086;
	s6 =	sadd.s32 @!p0 s3, s7;
	s7 =	simm.s32 @!p0 $0x108  }
0x21: {  	s3 =	sadd.s32 s3, s9;
	s6 =	sadd.s32 @!p0 $0x88, s6;
	s7 =	simm.s32 @p2 $0x1082  }
0x22: {  	[simem:s7], [sflag:s8] =	dma.local @!p0 [hbm:s6], $0xF7A  }
0x23: {  	s9 =	sor.u32 $0xD0000000, s2;
	s6 =	simm.s32 $0x108;
	_ =	swait.ge @!p0 [sflag:s8], $0x0  }
0x24: {  	s3 =	sadd.s32 $0x88, s3;
	s6 =	simm.s32 @!p1 $0x1082;
	[sflag:s4] =	ssyncset.s32 $0xFFFFF086  }
0x25: {  	[simem:s6], [sflag:s4] =	dma.local [hbm:s3], $0xF7A  }
0x26: {  	[smem:$0x3F9E] =	sst s1;
	(tag) =	ssettag s2;
	_ =	strace s9  }
0x27: {  	s1 =	sld [smem:$0x3FAE]  }
0x28: {  	s2 =	sld [smem:$0x3FAF]  }
0x29: {  	s4 =	sld [smem:$0x3FB1]  }
0x2a: {  	p0 =	seq.s32 s5, $0x0;
	s5 =	sld [smem:$0x3FB2]  }
0x2b: {  	s6 =	sld [smem:$0x3FB3]  }
0x2c: {  	s7 =	sld [smem:$0x3FB4]  }
0x2d: {  	s3 =	simm.s32 $0x108;
	s8 =	sld [smem:$0x3FB5]  }
0x2e: {  	s3 =	simm.s32 @!p0 $0x1082;
	s9 =	sld [smem:$0x3FB6]  }
0x2f: {  	lr =	sadd.s32 s0, s3;
	s0 =	sld [smem:$0x3FAD]  }
0x30: {  	s3 =	sld [smem:$0x3FB0]  }
0x31: {  	[smem:$0x3FB9] =	sst s10  }
0x32: {  	s10 =	sld [smem:$0x3FB7];
	_ =	sdelay $0x3  }
0x33: {  	p0 =	seq.s32 s10, $0x1;
	s10 =	sld [smem:$0x3FB9];
	_ =	sdelay $0x3  }
0x34: {  	[smem:$0x3FB9] =	sst s10  }
0x35: {  	s10 =	sld [smem:$0x3FB8];
	_ =	sdelay $0x3  }
0x36: {  	p1 =	seq.s32 s10, $0x1;
	s10 =	sld [smem:$0x3FB9];
	_ =	sdelay $0x3  }
0x37: {  	[smem:$0x3FB9] =	sst s10  }
0x38: {  	s10 =	sld [smem:$0x3FBA]  }
0x39: {  	_ = 	snop;
	(pc) =	sbr.ind lr, $3  }
0x3a: {  	_ = 	snop  }
0x3b: {  	_ = 	snop  }
0x3c: {  	p2 =	seq.s32 s10, $0x1;
	s10 =	sld [smem:$0x3FB9]  }
0x3d: {  	_ =	shalt  }
0x3e: {  	_ =	shalt  }
0x3f: {  	_ =	shalt  }
0x40: {  	_ =	shalt  }
0x41: {  	_ =	shalt  }
0x42: {  	_ =	shalt  }
0x43: {  	_ =	shalt  }
0x44: {  	_ =	shalt  }
0x45: {  	_ =	shalt  }
0x46: {  	_ =	shalt  }
0x47: {  	_ =	shalt  }
0x48: {  	_ =	shalt  }
0x49: {  	_ =	shalt  }
0x4a: {  	_ =	shalt  }
0x4b: {  	_ =	shalt  }
0x4c: {  	_ =	shalt  }
0x4d: {  	_ =	shalt  }
0x4e: {  	_ =	shalt  }
0x4f: {  	_ =	shalt  }
0x50: {  	_ =	shalt  }
0x51: {  	_ =	shalt  }
0x52: {  	_ =	shalt  }
0x53: {  	_ =	shalt  }
0x54: {  	_ =	shalt  }
0x55: {  	_ =	shalt  }
0x56: {  	_ =	shalt  }
0x57: {  	_ =	shalt  }
0x58: {  	_ =	shalt  }
0x59: {  	_ =	shalt  }
0x5a: {  	_ =	shalt  }
0x5b: {  	_ =	shalt  }
0x5c: {  	_ =	shalt  }
0x5d: {  	_ =	shalt  }
0x5e: {  	_ =	shalt  }
0x5f: {  	_ =	shalt  }
0x60: {  	_ =	shalt  }
0x61: {  	_ =	shalt  }
0x62: {  	_ =	shalt  }
0x63: {  	_ =	shalt  }
0x64: {  	_ =	shalt  }
0x65: {  	_ =	shalt  }
0x66: {  	_ =	shalt  }
0x67: {  	_ =	shalt  }
0x68: {  	_ =	shalt  }
0x69: {  	_ =	shalt  }
0x6a: {  	_ =	shalt  }
0x6b: {  	_ =	shalt  }
0x6c: {  	_ =	shalt  }
0x6d: {  	_ =	shalt  }
0x6e: {  	_ =	shalt  }
0x6f: {  	_ =	shalt  }
0x70: {  	_ =	shalt  }
0x71: {  	_ =	shalt  }
0x72: {  	_ =	shalt  }
0x73: {  	_ =	shalt  }
0x74: {  	_ =	shalt  }
0x75: {  	_ =	shalt  }
0x76: {  	_ =	shalt  }
0x77: {  	_ =	shalt  }
0x78: {  	_ =	shalt  }
0x79: {  	_ =	shalt  }
0x7a: {  	_ =	shalt  }
0x7b: {  	_ =	shalt  }
0x7c: {  	_ =	shalt  }
0x7d: {  	_ =	shalt  }
0x7e: {  	_ =	shalt  }
0x7f: {  	_ =	shalt  }
0x80: {  	_ =	shalt  }
0x81: {  	_ =	shalt  }
0x82: {  	_ =	shalt  }
0x83: {  	_ =	shalt  }
0x84: {  	_ =	shalt  }
0x85: {  	_ =	shalt  }
0x86: {  	_ =	shalt  }
0x87: {  	_ =	shalt  }
.Lfunc_end0:
.L_simem_size_0:
called_computation_lowered:
.L_overlay_start_0:
0x88: {  	s2 =	sld [smem:$0x3FD9]  }
0x89: {  	s3 =	sld [smem:$0x3FFE];
	_ =	sdelay $0x1  }
0x8a: {  	s1 =	srdreg.scid  }
0x8b: {  	s0 =	sand.u32 $0x1, s1  }
0x8c: {  	s17 =	sshll.u32 s0, $0xA;
	s2 =	sadd.s32 s3, s2  }
0x8d: {  	s2 =	sadd.s32 s2, s17  }
0x8e: {  	[smem:$0x3FC5] =	sst s2  }
0x8f: {  	_ = 	snop  }
0x90: {  	s2 =	sld [smem:$0x3FD0];
	(tm) =	ssettm $0x1  }
0x91: {  	s18 =	sld [smem:$0x3FFB];
	_ =	sdelay $0x3  }
0x92: {  	_ =	strace s18  }
0x93: {  	s3 =	sld [smem:$0x3FFC];
	_ =	sdelay $0x3  }
0x94: {  	_ =	strace s3  }
0x95: {  	s3 =	sld [smem:$0x3FFD];
	_ =	sdelay $0x3  }
0x96: {  	_ =	strace s3  }
0x97: {  	_ =	strace $0x8FFFFFFF  }
0x98: {  	s19 =	sld [smem:$0x3FDB];
	_ =	sdelay $0x1  }
0x99: {  	s4 =	simm.s32 $_scs_section_size  }
0x9a: {  	s5 =	simm.s32 $_size__tile_overlayer_lowered;
	s6 =	simm.s32 $_tile_overlayer_lowered  }
0x9b: {  	s22 =	simm.s32 $0x1BFF;
	s21 =	sshll.u32 s6, $0x1;
	s3 =	sadd.s32 s4, s19  }
0x9c: {  	s7 =	simm.s32 $0x0;
	s20 =	sshll.u32 s5, $0x1;
	s5 =	sadd.s32 s21, s3  }
0x9d: {  	[timem:s7], [sflag:s22] =	dma.local [hbm:s5], s20  }
0x9e: {  	_ =	swait.ge [sflag:s22], s20  }
0x9f: {  	s4 =	ssub.s32 $0x0, s20;
	[sflag:s22] =	ssyncset.done $0x0  }
0xa0: {  	[sflag:s22] =	ssyncadd.s32 s4;
	_ =	sdelay $0x1  }
0xa1: {  	s23 =	simm.s32 $0x1B8B  }
0xa2: {  	_ =	swait.ge [sflag:s23], $0x1  }
0xa3: {  	[sflag:s23] =	ssyncset.done $0x0  }
0xa4: {  	s25 =	simm.s32 $0x1B8E;
	s24 =	sld [smem:$0x3FFE];
	[sflag:s23] =	ssyncadd.s32 $0xFFFFFFFF  }
0xa5: {  	s26 =	simm.s32 $execute0_lowered;
	[smem:$0x3FD2] =	sst s25  }
0xa6: {  	s5 =	sshll.u32 s26, $0x1;
	_ =	strace $0x80000046;
	[dreg:$0x1] =	wrdreg $0xFFFFFFFF  }
0xa7: {  	s28 =	simm.s32 $_size_execute0_lowered;
	s3 =	sadd.s32 s3, s5;
	[dreg:$0x0] =	wrdreg $0x0  }
0xa8: {  	s5 =	sshll.u32 s28, $0x1;
	[dreg:$0x2] =	wrdreg s3  }
0xa9: {  	[dreg:$0x3] =	wrdreg s5  }
0xaa: {  	[dreg:$0x4] =	wrdreg $0xC0  }
0xab: {  	_ =	task [dreg:s7], $0x5FFFF  }
0xac: {  	[dreg:$0x1] =	wrdreg $0xFFFFFFFF  }
0xad: {  	[dreg:$0x0] =	wrdreg $0x60  }
0xae: {  	[dreg:$0x2] =	wrdreg s24  }
0xaf: {  	[dreg:$0x3] =	wrdreg s2  }
0xb0: {  	[dreg:$0x4] =	wrdreg $0x9  }
0xb1: {  	_ =	task.clear_ibuf [dreg:s7], $0x5FFFF;
	_ =	strace $0x90000046  }
0xb2: {  	s29 =	simm.s32 $0x9;
	_ =	strace $0x80000048  }
0xb3: {  	_ =	swait.ge [sflag:s29], $0x1  }
0xb4: {  	[sflag:s29] =	ssyncadd.s32 $0xFFFFFFFF  }
0xb5: {  	_ =	strace $0x90000048  }
0xb6: {  	_ =	sfence  }
0xb7: {  	s30 =	sld [smem:$0x0];
	_ =	sdelay $0x2  }
0xb8: {  	s31 =	sshll.u32 s1, $0xD;
	s1 =	sshrl.u32 s1, $0x2  }
0xb9: {  	s3 =	sand.u32 $0x4000, s31;
	s1 =	sadd.s32 s1, s30  }
0xba: {  	s0 =	sor.u32 s3, s0;
	s1 =	sshll.u32 s1, $0x11  }
0xbb: {  	s0 =	sor.u32 s1, s0  }
0xbc: {  	s0 =	sadd.s32 $0x8F2B, s0  }
0xbd: {  	[sflag:s0] =	ssyncadd.remote.s32 $0x1  }
0xbe: {  	_ =	sfence.sel $0xFFFF  }
0xbf: {  	[dreg:$0x0] =	wrdreg $0xFFFFFFFF;
	(pc) =	sbr.abs _section_cstart, $3  }
0xc0: {  	[dreg:$0x1] =	wrdreg $0xFFFFFFFF  }
0xc1: {  	_ =	task.clear_ibuf [dreg:s7], $0x2FFFF;
	_ =	strace $0x9FFFFFFF  }
0xc2: {  	(tm) =	ssettm $0x7FFFFFFF  }
0xc3: {  	_ =	shalt  }
tec
execute0_lowered:
.L_overlay_start_1:
0x0: {  	(tag) =	ssettag $0x1  }
0x1: {  	s0 =	rddreg [dreg:$0x0];
	s1 =	srdreg.scid  }
0x2: {  	s3 =	stileid.u32;
	s2 =	rddreg [dreg:$0x1];
	s9 =	simm.s32 $0x80  }
0x3: {  	s11 =	simm.s32 $0x9;
	s19 =	simm.s32 $0x1;
	s20 =	simm.s32 $0x11600  }
0x4: {  	s21 =	simm.s32 $0x2;
	s22 =	simm.s32 $0x13800;
	s23 =	simm.s32 $0x3  }
0x5: {  	s24 =	simm.s32 $0x15A00;
	s28 =	simm.s32 $0x5;
	s29 =	simm.s32 $0x6  }
0x6: {  	s30 =	simm.s32 $0x7;
	s1 =	sand.u32 $0x1, s1;
	s4 =	sshll.u32 s3, $0x1  }
0x7: {  	s31 =	simm.s32 $0x8;
	s3 =	simm.s32 $0x0;
	s5 =	sor.u32 s1, s4  }
0x8: {  	[smem:$0x7FF] =	sst s3;
	s1 =	ssub.s32 $0x2, s1;
	s4 =	sshll.u32 s5, $0x4  }
0x9: {  	_ =	strace $0x80000047;
	s25 =	sshrl.u32 s1, $0x1;
	s7 =	sshll.u32 s5, $0xA  }
0xa: {  	v0 =	vlaneseq.u32;
	s6 =	sadd.s32 s4, s0;
	s4 =	sadd.s32 $0xF42C00, s0;
	s0 =	sadd.s32 $0x19800, s0  }
0xb: {  	v0 =	vmul.u32 $0x88, v0;
	[dreg:$0x3] =	wrdreg s0;
	s0 =	ssub.s32 s1, s25;
	s26 =	sadd.s32 $0x800, s6  }
0xc: {  	s25 =	simm.s32 $0x4;
	[dreg:$0x4] =	wrdreg s26;
	s0 =	smax.u32 s0, $0x1  }
0xd: {  	v1 =	vadd.s32 $0x880, v0;
	v2 =	vadd.s32 $0x1100, v0;
	v3 =	vadd.s32 $0x1980, v0;
	s1 =	simm.s32 $0x0;
	s26 =	simm.s32 $0x17C00;
	[dreg:$0x5] =	wrdreg s0  }
.LBB2_1:
0xe: {  	s0 =	rddreg [dreg:$0x4];
	s5 =	simm.s32 $0x1000  }
0xf: {  	[tilespmem:s3], [sflag:$0x9] =	stream.strided.gather [hbm4b:s0+s9], $0x6400, s5, s9, $0x38;
	[tilespmem:$0x19E00] =	vst v63  }
0x10: {  	_ =	swait.ge [sflag:s11], $0x6400  }
0x11: {  	[sflag:s11] =	ssyncset.done $0x0  }
0x12: {  	s12 =	simm.s32 $0x6400;
	s10 =	rddreg [dreg:$0x3];
	[sflag:s11] =	ssyncadd.s32 $0xFFFF9C00  }
0x13: {  	[tilespmem:s12], [sflag:$0x9] =	stream.linear.gather [hbm4b:s10+s3], $0x3200, $0x38;
	[tilespmem:$0x19E00] =	vst v63  }
0x14: {  	_ =	swait.ge [sflag:s11], $0x3200  }
0x15: {  	[sflag:s11] =	ssyncset.done $0x0  }
0x16: {  	s13 =	simm.s32 $0x9600;
	[sflag:s11] =	ssyncadd.s32 $0xFFFFCE00  }
0x17: {  	[tilespmem:s13], [sflag:$0x1] =	stream.indirect.gather [hbm4b:s4+s9], $0x40, s3, s9, $0xb8;
	[tilespmem:$0x19E00] =	vst v63  }
0x18: {  	s14 =	simm.s32 $0xB600  }
0x19: {  	[tilespmem:s14], [sflag:$0x2] =	stream.indirect.gather [hbm4b:s4+s9], $0x40, s9, s9, $0xb8;
	[tilespmem:$0x19E00] =	vst v63  }
0x1a: {  	s15 =	simm.s32 $0x100;
	s16 =	simm.s32 $0xD600  }
0x1b: {  	[tilespmem:s16], [sflag:$0x3] =	stream.indirect.gather [hbm4b:s4+s9], $0x40, s15, s9, $0xb8;
	[tilespmem:$0x19E00] =	vst v63  }
0x1c: {  	s17 =	simm.s32 $0x180;
	s18 =	simm.s32 $0xF600;
	s0 =	simm.s32 $0x0  }
0x1d: {  	[tilespmem:s18], [sflag:$0x4] =	stream.indirect.gather [hbm4b:s4+s9], $0x40, s17, s9, $0xb8;
	[tilespmem:$0x19E00] =	vst v63  }
.LBB2_2:
0x1e: {  	_ =	swait.ge [sflag:s19], $0x2000  }
0x1f: {  	p0 =	seq.s32 s0, $0x0;
	[sflag:s19] =	ssyncset.done $0x0  }
0x20: {  	s5 =	simm.s32 @!p0 $0x5;
	[sflag:s19] =	ssyncadd.s32 $0xFFFFE000  }
0x21: {  	_ =	swait.ge @!p0 [sflag:s5], $0x2000  }
0x22: {  	s6 =	sshll.u32 s0, $0x8;
	[sflag:s5] =	ssyncset.done @!p0 $0x0  }
0x23: {  	s16 =	sand.u32 $0x3FFFFF00, s6;
	[sflag:s5] =	ssyncadd.s32 @!p0 $0xFFFFE000  }
0x24: {  	s12 =	simm.s32 $0x9640;
	s17 =	simm.s32 $0x1;
	v9 =	vld [tilespmem:s16+$0x6400]  }
0x25: {  	v4 =	vmov s17;
	v6 =	vld [tilespmem:s12+$0x0]  }
0x26: {  	v14 =	vand.u32 $0x7F, v4  }
0x27: {  	v8 =	vadd.s32 v0, v14  }
0x28: {  	s18 =	simm.s32 $0x0;
	v7 =	vld [tilespmem:s16+$0x6410]  }
0x29: {  	v4 =	vmov s18;
	v10 =	vld [tilespmem:s12+$0xFFFFFFC0]  }
0x2a: {  	v18 =	vand.u32 $0x7E, v4;
	v5 =	vld [tilespmem:s16+$0x6420];
	v6 =	vadd.f32 v6, v9  }
0x2b: {  	s8 =	simm.s32 $0x3;
	s10 =	simm.s32 $0x96C0;
	v11 =	vadd.s32 v0, v18;
	v4 =	vld [tilespmem:s16+$0x6430]  }
0x2c: {  	v12 =	vld [tilespmem:s10+$0x0];
	[tilespmem:v8+s20+$0x0] =	vst.idx.msk $0xffff, v6;
	v6 =	vmov s8  }
0x2d: {  	v6 =	vand.u32 $0x7F, v6;
	v13 =	vld [tilespmem:s12+$0x10]  }
0x2e: {  	v8 =	vadd.f32 v10, v9;
	v10 =	vadd.s32 v0, v6  }
0x2f: {  	s13 =	simm.s32 $0x2;
	v15 =	vadd.s32 v1, v14  }
0x30: {  	[tilespmem:v11+s20+$0x0] =	vst.idx.msk $0xffff, v8;
	v8 =	vmov s13;
	v11 =	vld [tilespmem:s10+$0xFFFFFFC0]  }
0x31: {  	v12 =	vadd.f32 v12, v9;
	v8 =	vand.u32 $0x7E, v8;
	v16 =	vld [tilespmem:s12+$0xFFFFFFD0]  }
0x32: {  	s14 =	simm.s32 $0x5;
	s13 =	simm.s32 $0x9740;
	v17 =	vadd.s32 v0, v8;
	v13 =	vadd.f32 v13, v7  }
0x33: {  	v19 =	vld [tilespmem:s13+$0x0];
	[tilespmem:v10+s20+$0x0] =	vst.idx.msk $0xffff, v12;
	v12 =	vadd.s32 v1, v18;
	v10 =	vmov s14  }
0x34: {  	[tilespmem:v15+s20+$0x0] =	vst.idx.msk $0xffff, v13;
	v10 =	vand.u32 $0x7F, v10;
	v13 =	vld [tilespmem:s10+$0x10]  }
0x35: {  	v11 =	vadd.f32 v11, v9;
	v15 =	vadd.s32 v0, v10;
	v20 =	vld [tilespmem:s12+$0x20]  }
0x36: {  	s15 =	simm.s32 $0x4;
	v21 =	vadd.s32 v1, v6;
	v16 =	vadd.f32 v16, v7  }
0x37: {  	v22 =	vadd.s32 v2, v14;
	[tilespmem:v17+s20+$0x0] =	vst.idx.msk $0xffff, v11;
	v11 =	vmov s15;
	v17 =	vld [tilespmem:s13+$0xFFFFFFC0]  }
0x38: {  	v11 =	vand.u32 $0x7E, v11;
	[tilespmem:v12+s20+$0x0] =	vst.idx.msk $0xffff, v16;
	v12 =	vadd.f32 v19, v9;
	v16 =	vld [tilespmem:s10+$0xFFFFFFD0]  }
0x39: {  	s16 =	simm.s32 $0x7;
	s14 =	simm.s32 $0x97C0;
	v19 =	vadd.s32 v0, v11;
	v13 =	vadd.f32 v13, v7;
	v23 =	vld [tilespmem:s12+$0xFFFFFFE0]  }
0x3a: {  	v24 =	vld [tilespmem:s14+$0x0];
	[tilespmem:v15+s20+$0x0] =	vst.idx.msk $0xffff, v12;
	v15 =	vadd.s32 v1, v8;
	v20 =	vadd.f32 v20, v5;
	v12 =	vmov s16  }
0x3b: {  	[tilespmem:v21+s20+$0x0] =	vst.idx.msk $0xffff, v13;
	v21 =	vadd.s32 v2, v18;
	v12 =	vand.u32 $0x7F, v12;
	v25 =	vld [tilespmem:s13+$0x10]  }
0x3c: {  	v13 =	vadd.f32 v17, v9;
	[tilespmem:v22+s20+$0x0] =	vst.idx.msk $0xffff, v20;
	v17 =	vadd.s32 v0, v12;
	v20 =	vld [tilespmem:s10+$0x20]  }
0x3d: {  	s17 =	simm.s32 $0x6;
	v26 =	vadd.s32 v1, v10;
	v16 =	vadd.f32 v16, v7;
	v27 =	vld [tilespmem:s12+$0x30]  }
0x3e: {  	v28 =	vadd.s32 v2, v6;
	[tilespmem:v19+s20+$0x0] =	vst.idx.msk $0xffff, v13;
	v13 =	vmov s17;
	v19 =	vadd.f32 v23, v5;
	v23 =	vld [tilespmem:s14+$0xFFFFFFC0]  }
0x3f: {  	v30 =	vadd.s32 v3, v14;
	v13 =	vand.u32 $0x7E, v13;
	v29 =	vld [tilespmem:s13+$0xFFFFFFD0];
	[tilespmem:v15+s20+$0x0] =	vst.idx.msk $0xffff, v16;
	v16 =	vadd.f32 v24, v9  }
0x40: {  	[tilespmem:v21+s20+$0x0] =	vst.idx.msk $0xffff, v19;
	v21 =	vadd.s32 v0, v13;
	v14 =	vadd.f32 v25, v7;
	v15 =	vld [tilespmem:s10+$0xFFFFFFE0]  }
0x41: {  	s18 =	simm.s32 $0x9;
	s16 =	simm.s32 $0x9840;
	v19 =	vadd.s32 v1, v11;
	[tilespmem:v17+s20+$0x0] =	vst.idx.msk $0xffff, v16;
	v20 =	vadd.f32 v20, v5;
	v16 =	vld [tilespmem:s12+$0xFFFFFFF0]  }
0x42: {  	v22 =	vld [tilespmem:s16+$0x0];
	v24 =	vmov s18;
	v17 =	vadd.s32 v2, v8;
	[tilespmem:v26+s20+$0x0] =	vst.idx.msk $0xffff, v14;
	v27 =	vadd.f32 v27, v4  }
0x43: {  	s5 =	simm.s32 $0x8;
	v18 =	vadd.s32 v3, v18;
	v14 =	vand.u32 $0x7F, v24;
	v26 =	vadd.f32 v23, v9;
	v23 =	vld [tilespmem:s14+$0x10];
	[tilespmem:v28+s20+$0x0] =	vst.idx.msk $0xffff, v20  }
0x44: {  	s15 =	simm.s32 $0x9840;
	s17 =	simm.s32 $0xA;
	s12 =	sshll.u32 s0, $0x2;
	v24 =	vadd.s32 v0, v14;
	v25 =	vadd.f32 v29, v7;
	v20 =	vld [tilespmem:s13+$0x20];
	[tilespmem:v30+s20+$0x0] =	vst.idx.msk $0xffff, v27  }
.LBB2_3:
0x45: {  	p1 =	slt.u32 s17, $0x7E;
	[tilespmem:v21+s20+$0x0] =	vst.idx.msk $0xffff, v26;
	v26 =	vadd.s32 v1, v12;
	v15 =	vadd.f32 v15, v5;
	v27 =	vld [tilespmem:s10+$0x30];
	v28 =	vmov v11  }
0x46: {  	v21 =	vmov s5;
	v11 =	vmovc v13;
	s5 =	smov.u32 s17;
	v29 =	vld [tilespmem:s16+$0xFFFFFFC0];
	[tilespmem:v19+s20+$0x0] =	vst.idx.msk $0xffff, v25;
	v25 =	vadd.s32 v2, v10;
	v16 =	vadd.f32 v16, v4  }
0x47: {  	v31 =	vadd.s32 v3, v6;
	v13 =	vand.u32 $0x7E, v21;
	v19 =	vadd.f32 v22, v9;
	v30 =	vld [tilespmem:s14+$0xFFFFFFD0];
	[tilespmem:v17+s20+$0x0] =	vst.idx.msk $0xffff, v15  }
.Ltmp0:
0x48: {  	v6 =	vmov v10;
	v21 =	vadd.s32 v0, v13;
	v17 =	vadd.f32 v23, v7;
	v15 =	vld [tilespmem:s13+$0xFFFFFFE0];
	[tilespmem:v18+s20+$0x0] =	vst.idx.msk $0xffff, v16;
	(pc) =	sbr.rel @p1 .LBB2_3-.Ltmp0, $4  }
0x49: {  	s6 =	sadd.s32 $0x1, s17;
	s16 =	sadd.s32 $0x80, s16;
	v10 =	vmov v12;
	[tilespmem:v24+s20+$0x0] =	vst.idx.msk $0xffff, v19;
	v19 =	vadd.s32 v1, v11;
	v18 =	vadd.f32 v20, v5;
	v16 =	vld [tilespmem:s10+$0xFFFFFFF0];
	s10 =	smov.u32 s13  }
0x4a: {  	v12 =	vmovc v14;
	v20 =	vmov s6;
	s13 =	smov.u32 s14;
	s14 =	smov.u32 s15;
	s15 =	smov.u32 s16;
	v22 =	vld [tilespmem:s16+$0x0];
	[tilespmem:v26+s20+$0x0] =	vst.idx.msk $0xffff, v17;
	v17 =	vadd.s32 v2, v28;
	v27 =	vadd.f32 v27, v4  }
0x4b: {  	v14 =	vand.u32 $0x7F, v20;
	v26 =	vadd.f32 v29, v9;
	v23 =	vld [tilespmem:s14+$0x10];
	[tilespmem:v25+s20+$0x0] =	vst.idx.msk $0xffff, v18;
	v18 =	vadd.s32 v3, v8  }
0x4c: {  	s17 =	sadd.s32 $0x2, s17;
	v24 =	vadd.s32 v0, v14;
	v8 =	vmov v28;
	v25 =	vadd.f32 v30, v7;
	v20 =	vld [tilespmem:s13+$0x20];
	[tilespmem:v31+s20+$0x0] =	vst.idx.msk $0xffff, v27  }
0x4d: {  	v27 =	vmov s5;
	v28 =	vld [tilespmem:s16+$0xFFFFFFC0]  }
0x4e: {  	v27 =	vand.u32 $0x7E, v27  }
0x4f: {  	v29 =	vadd.s32 v0, v27;
	_ =	sdelay $0x1  }
0x50: {  	v22 =	vadd.f32 v22, v9  }
0x51: {  	[tilespmem:v21+s20+$0x0] =	vst.idx.msk $0xffff, v26;
	v57 =	vadd.f32 v28, v9  }
0x52: {  	v21 =	vld [tilespmem:s14+$0xFFFFFFD0];
	[tilespmem:v24+s20+$0x0] =	vst.idx.msk $0xffff, v22  }
0x53: {  	v58 =	vadd.s32 v1, v12;
	v24 =	vld [tilespmem:s15+$0x10];
	[tilespmem:v29+s20+$0x0] =	vst.idx.msk $0xffff, v57  }
0x54: {  	v59 =	vadd.s32 v1, v13;
	v60 =	vld [tilespmem:s15+$0xFFFFFFD0]  }
0x55: {  	v61 =	vadd.s32 v1, v14  }
0x56: {  	v62 =	vadd.s32 v1, v27;
	v23 =	vadd.f32 v23, v7  }
0x57: {  	[tilespmem:v19+s20+$0x0] =	vst.idx.msk $0xffff, v25;
	v63 =	vadd.f32 v21, v7  }
0x58: {  	v30 =	vld [tilespmem:s13+$0xFFFFFFE0];
	[tilespmem:v58+s20+$0x0] =	vst.idx.msk $0xffff, v23;
	v31 =	vadd.f32 v24, v7  }
0x59: {  	v32 =	vadd.s32 v2, v10;
	v33 =	vld [tilespmem:s14+$0x20];
	[tilespmem:v59+s20+$0x0] =	vst.idx.msk $0xffff, v63;
	v34 =	vadd.f32 v60, v7  }
0x5a: {  	v35 =	vadd.f32 v15, v5;
	v36 =	vadd.s32 v2, v11;
	v19 =	vld [tilespmem:s14+$0xFFFFFFE0];
	[tilespmem:v61+s20+$0x0] =	vst.idx.msk $0xffff, v31  }
0x5b: {  	v37 =	vadd.s32 v2, v12;
	v16 =	vadd.f32 v16, v4;
	v38 =	vld [tilespmem:s15+$0x20];
	[tilespmem:v62+s20+$0x0] =	vst.idx.msk $0xffff, v34  }
0x5c: {  	v40 =	vadd.s32 v2, v13;
	[tilespmem:v17+s20+$0x0] =	vst.idx.msk $0xffff, v35;
	v39 =	vadd.f32 v20, v5;
	v41 =	vld [tilespmem:s15+$0xFFFFFFE0]  }
0x5d: {  	v42 =	vld [tilespmem:s10+$0x30];
	v44 =	vadd.s32 v2, v14;
	[tilespmem:v18+s20+$0x0] =	vst.idx.msk $0xffff, v16;
	v43 =	vadd.f32 v30, v5  }
0x5e: {  	v47 =	vadd.s32 v2, v27;
	v45 =	vld [tilespmem:s10+$0xFFFFFFF0];
	[tilespmem:v32+s20+$0x0] =	vst.idx.msk $0xffff, v39;
	v46 =	vadd.f32 v33, v5  }
0x5f: {  	v6 =	vadd.s32 v3, v6;
	v48 =	vld [tilespmem:s13+$0x30];
	[tilespmem:v36+s20+$0x0] =	vst.idx.msk $0xffff, v43;
	v49 =	vadd.f32 v19, v5  }
0x60: {  	v8 =	vadd.s32 v3, v8;
	v16 =	vld [tilespmem:s13+$0xFFFFFFF0];
	[tilespmem:v37+s20+$0x0] =	vst.idx.msk $0xffff, v46;
	v50 =	vadd.f32 v38, v5  }
0x61: {  	v51 =	vadd.s32 v3, v10;
	v52 =	vld [tilespmem:s14+$0x30];
	[tilespmem:v40+s20+$0x0] =	vst.idx.msk $0xffff, v49;
	v5 =	vadd.f32 v41, v5  }
0x62: {  	v54 =	vadd.s32 v3, v11;
	v53 =	vadd.f32 v42, v4;
	v15 =	vld [tilespmem:s14+$0xFFFFFFF0];
	[tilespmem:v44+s20+$0x0] =	vst.idx.msk $0xffff, v50  }
0x63: {  	v56 =	vadd.s32 v3, v12;
	v55 =	vadd.f32 v45, v4;
	v57 =	vld [tilespmem:s15+$0x30];
	[tilespmem:v47+s20+$0x0] =	vst.idx.msk $0xffff, v5  }
0x64: {  	v58 =	vadd.s32 v3, v13;
	[tilespmem:v6+s20+$0x0] =	vst.idx.msk $0xffff, v53;
	v5 =	vadd.f32 v48, v4;
	v59 =	vld [tilespmem:s15+$0xFFFFFFF0]  }
0x65: {  	[tilespmem:v8+s20+$0x0] =	vst.idx.msk $0xffff, v55;
	v61 =	vadd.s32 v3, v14;
	v60 =	vadd.f32 v16, v4  }
0x66: {  	v62 =	vadd.s32 v3, v27;
	[tilespmem:v51+s20+$0x0] =	vst.idx.msk $0xffff, v5;
	v5 =	vadd.f32 v52, v4  }
0x67: {  	[tilespmem:v54+s20+$0x0] =	vst.idx.msk $0xffff, v60;
	v63 =	vadd.f32 v15, v4  }
0x68: {  	p1 =	seq.s32 s0, $0x31;
	[tilespmem:v56+s20+$0x0] =	vst.idx.msk $0xffff, v5;
	v5 =	vadd.f32 v57, v4  }
0x69: {  	s5 =	sshll.u32 @!p1 s0, $0x9;
	[tilespmem:v58+s20+$0x0] =	vst.idx.msk $0xffff, v63;
	v4 =	vadd.f32 v59, v4  }
0x6a: {  	s18 =	sshll.u32 s0, $0x14;
	s10 =	sand.u32 @!p1 $0x3FFFFE00, s5;
	[tilespmem:v61+s20+$0x0] =	vst.idx.msk $0xffff, v5  }
0x6b: {  	s6 =	simm.s32 @!p1 $0x80;
	s5 =	sadd.s32 @!p1 $0x200, s10;
	s13 =	simm.s32 @!p1 $0x9600;
	[tilespmem:v62+s20+$0x0] =	vst.idx.msk $0xffff, v4  }
0x6c: {  	[tilespmem:s13], [sflag:$0x1] =	stream.indirect.gather @!p1 [hbm4b:s4+s6], $0x40, s5, s6, $0xb8;
	[tilespmem:$0x19E00] =	vst v63  }
0x6d: {  	s5 =	sor.u32 s7, s18  }
0x6e: {  	s5 =	sshrl.u32 s5, $0x3  }
0x6f: {  	s6 =	simm.s32 $0x11600;
	s14 =	sadd.s32 s2, s5  }
0x70: {  	[hbm4b:s14+s3] =	stream.linear.scatter [tilespmem:s6], [sflag:$0x5], $0x80, $0x38;
	[tilespmem:$0x19E00] =	vst v63  }
0x71: {  	s8 =	simm.s32 $0x11688;
	s13 =	sadd.s32 $0x10, s14  }
0x72: {  	[hbm4b:s13+s3] =	stream.linear.scatter [tilespmem:s8], [sflag:$0x5], $0x80, $0x38;
	[tilespmem:$0x19E00] =	vst v63  }
0x73: {  	s17 =	simm.s32 $0x11798;
	s15 =	simm.s32 $0x11710;
	s16 =	sadd.s32 $0x20, s14  }
0x74: {  	[hbm4b:s16+s3] =	stream.linear.scatter [tilespmem:s15], [sflag:$0x5], $0x80, $0x38;
	[tilespmem:$0x19E00] =	vst v63  }
0x75: {  	s5 =	simm.s32 $0x2200;
	s18 =	sadd.s32 $0x30, s14;
	s6 =	simm.s32 $0x119B8  }
0x76: {  	[hbm4b:s18+s3] =	stream.linear.scatter [tilespmem:s17], [sflag:$0x5], $0x80, $0x38;
	[tilespmem:$0x19E00] =	vst v63  }
0x77: {  	s8 =	simm.s32 $0x11820;
	s13 =	sadd.s32 $0x40, s14;
	s15 =	simm.s32 $0x118A8  }
0x78: {  	[hbm4b:s13+s3] =	stream.linear.scatter [tilespmem:s8], [sflag:$0x5], $0x80, $0x38;
	[tilespmem:$0x19E00] =	vst v63  }
0x79: {  	s16 =	sadd.s32 $0x50, s14;
	s17 =	simm.s32 $0x11930;
	s18 =	sadd.s32 $0x60, s14  }
0x7a: {  	[hbm4b:s16+s3] =	stream.linear.scatter [tilespmem:s15], [sflag:$0x5], $0x80, $0x38;
	[tilespmem:$0x19E00] =	vst v63  }
0x7b: {  	s13 =	simm.s32 $0x440;
	s15 =	sadd.s32 $0x70, s14;
	s14 =	sadd.s32 $0x1000, s14  }
0x7c: {  	[hbm4b:s18+s3] =	stream.linear.scatter [tilespmem:s17], [sflag:$0x5], $0x80, $0x38;
	[tilespmem:$0x19E00] =	vst v63  }
.LBB2_5:
0x7d: {  	[hbm4b:s15+s3] =	stream.linear.scatter [tilespmem:s6], [sflag:$0x5], $0x80, $0x38;
	[tilespmem:$0x19E00] =	vst v63  }
0x7e: {  	s6 =	smov.u32 s13;
	s13 =	smov.u32 s5  }
0x7f: {  	s16 =	sadd.s32 $0x1100, s5;
	s13 =	sshra.s32 s13, $0x2;
	s15 =	sadd.s32 $0x11600, s6  }
0x80: {  	[hbm4b:s14+s3] =	stream.linear.scatter [tilespmem:s15], [sflag:$0x5], $0x80, $0x38;
	[tilespmem:$0x19E00] =	vst v63  }
0x81: {  	p2 =	sne.s32 s5, $0x7700;
	s5 =	sadd.s32 $0x11688, s6;
	s15 =	sadd.s32 $0x10, s14  }
0x82: {  	[hbm4b:s15+s3] =	stream.linear.scatter [tilespmem:s5], [sflag:$0x5], $0x80, $0x38;
	[tilespmem:$0x19E00] =	vst v63  }
0x83: {  	s5 =	sadd.s32 $0x11710, s6;
	s15 =	sadd.s32 $0x20, s14  }
0x84: {  	[hbm4b:s15+s3] =	stream.linear.scatter [tilespmem:s5], [sflag:$0x5], $0x80, $0x38;
	[tilespmem:$0x19E00] =	vst v63  }
0x85: {  	s5 =	sadd.s32 $0x11798, s6;
	s15 =	sadd.s32 $0x30, s14  }
0x86: {  	[hbm4b:s15+s3] =	stream.linear.scatter [tilespmem:s5], [sflag:$0x5], $0x80, $0x38;
	[tilespmem:$0x19E00] =	vst v63  }
0x87: {  	s5 =	sadd.s32 $0x11820, s6;
	s15 =	sadd.s32 $0x40, s14  }
0x88: {  	[hbm4b:s15+s3] =	stream.linear.scatter [tilespmem:s5], [sflag:$0x5], $0x80, $0x38;
	[tilespmem:$0x19E00] =	vst v63  }
.Ltmp1:
0x89: {  	s5 =	sadd.s32 $0x118A8, s6;
	s15 =	sadd.s32 $0x50, s14;
	(pc) =	sbr.rel @p2 .LBB2_5-.Ltmp1, $4  }
0x8a: {  	[hbm4b:s15+s3] =	stream.linear.scatter [tilespmem:s5], [sflag:$0x5], $0x80, $0x38;
	[tilespmem:$0x19E00] =	vst v63  }
0x8b: {  	s5 =	sadd.s32 $0x11930, s6;
	s15 =	sadd.s32 $0x60, s14;
	s6 =	sadd.s32 $0x119B8, s6  }
0x8c: {  	[hbm4b:s15+s3] =	stream.linear.scatter [tilespmem:s5], [sflag:$0x5], $0x80, $0x38;
	[tilespmem:$0x19E00] =	vst v63  }
0x8d: {  	s15 =	sadd.s32 $0x70, s14;
	s14 =	sadd.s32 $0x1000, s14;
	s5 =	smov.u32 s16  }
0x8e: {  	[hbm4b:s15+s3] =	stream.linear.scatter [tilespmem:s6], [sflag:$0x5], $0x80, $0x38;
	[tilespmem:$0x19E00] =	vst v63  }
0x8f: {  	s5 =	sadd.s32 $0x11600, s13  }
0x90: {  	[hbm4b:s14+s3] =	stream.linear.scatter [tilespmem:s5], [sflag:$0x5], $0x80, $0x38;
	[tilespmem:$0x19E00] =	vst v63  }
0x91: {  	s17 =	sadd.s32 $0x11688, s13;
	s18 =	sadd.s32 $0x10, s14  }
0x92: {  	[hbm4b:s18+s3] =	stream.linear.scatter [tilespmem:s17], [sflag:$0x5], $0x80, $0x38;
	[tilespmem:$0x19E00] =	vst v63  }
0x93: {  	s6 =	sadd.s32 $0x11710, s13;
	s8 =	sadd.s32 $0x20, s14  }
0x94: {  	[hbm4b:s8+s3] =	stream.linear.scatter [tilespmem:s6], [sflag:$0x5], $0x80, $0x38;
	[tilespmem:$0x19E00] =	vst v63  }
0x95: {  	s15 =	sadd.s32 $0x11798, s13;
	s16 =	sadd.s32 $0x30, s14  }
0x96: {  	[hbm4b:s16+s3] =	stream.linear.scatter [tilespmem:s15], [sflag:$0x5], $0x80, $0x38;
	[tilespmem:$0x19E00] =	vst v63  }
0x97: {  	s17 =	sadd.s32 $0x11820, s13;
	s18 =	sadd.s32 $0x40, s14  }
0x98: {  	[hbm4b:s18+s3] =	stream.linear.scatter [tilespmem:s17], [sflag:$0x5], $0x80, $0x38;
	[tilespmem:$0x19E00] =	vst v63  }
0x99: {  	s6 =	sadd.s32 $0x118A8, s13;
	s8 =	sadd.s32 $0x50, s14  }
0x9a: {  	[hbm4b:s8+s3] =	stream.linear.scatter [tilespmem:s6], [sflag:$0x5], $0x80, $0x38;
	[tilespmem:$0x19E00] =	vst v63  }
0x9b: {  	s15 =	sadd.s32 $0x11930, s13;
	s16 =	sadd.s32 $0x60, s14  }
0x9c: {  	[hbm4b:s16+s3] =	stream.linear.scatter [tilespmem:s15], [sflag:$0x5], $0x80, $0x38;
	[tilespmem:$0x19E00] =	vst v63  }
0x9d: {  	s17 =	sadd.s32 $0x119B8, s13;
	s18 =	sadd.s32 $0x70, s14  }
0x9e: {  	[hbm4b:s18+s3] =	stream.linear.scatter [tilespmem:s17], [sflag:$0x5], $0x80, $0x38;
	[tilespmem:$0x19E00] =	vst v63  }
0x9f: {  	_ =	swait.ge [sflag:s21], $0x2000  }
0xa0: {  	[sflag:s21] =	ssyncset.done $0x0  }
0xa1: {  	s5 =	simm.s32 @!p0 $0x6;
	[sflag:s21] =	ssyncadd.s32 $0xFFFFE000  }
0xa2: {  	s13 =	sor.u32 $0x1, s12;
	_ =	swait.ge @!p0 [sflag:s5], $0x2000  }
0xa3: {  	s8 =	sshll.u32 s13, $0x6;
	[sflag:s5] =	ssyncset.done @!p0 $0x0  }
0xa4: {  	s14 =	sand.u32 $0x3FFFFFC0, s8;
	[sflag:s5] =	ssyncadd.s32 @!p0 $0xFFFFE000  }
0xa5: {  	s15 =	simm.s32 $0x1;
	s17 =	simm.s32 $0xB640;
	v9 =	vld [tilespmem:s14+$0x6400]  }
0xa6: {  	v4 =	vmov s15;
	v6 =	vld [tilespmem:s17+$0x0]  }
0xa7: {  	v14 =	vand.u32 $0x7F, v4  }
0xa8: {  	v8 =	vadd.s32 v0, v14  }
0xa9: {  	s16 =	simm.s32 $0x0;
	v7 =	vld [tilespmem:s14+$0x6410]  }
0xaa: {  	v4 =	vmov s16;
	v10 =	vld [tilespmem:s17+$0xFFFFFFC0]  }
0xab: {  	v18 =	vand.u32 $0x7E, v4;
	v5 =	vld [tilespmem:s14+$0x6420];
	v6 =	vadd.f32 v6, v9  }
0xac: {  	s18 =	simm.s32 $0x3;
	v11 =	vadd.s32 v0, v18;
	v4 =	vld [tilespmem:s14+$0x6430];
	s14 =	simm.s32 $0xB6C0  }
0xad: {  	v12 =	vld [tilespmem:s14+$0x0];
	[tilespmem:v8+s22+$0x0] =	vst.idx.msk $0xffff, v6;
	v6 =	vmov s18  }
0xae: {  	v6 =	vand.u32 $0x7F, v6;
	v13 =	vld [tilespmem:s17+$0x10]  }
0xaf: {  	v8 =	vadd.f32 v10, v9;
	v10 =	vadd.s32 v0, v6  }
0xb0: {  	s6 =	simm.s32 $0x2;
	v15 =	vadd.s32 v1, v14  }
0xb1: {  	[tilespmem:v11+s22+$0x0] =	vst.idx.msk $0xffff, v8;
	v8 =	vmov s6;
	v11 =	vld [tilespmem:s14+$0xFFFFFFC0]  }
0xb2: {  	v12 =	vadd.f32 v12, v9;
	v8 =	vand.u32 $0x7E, v8;
	v16 =	vld [tilespmem:s17+$0xFFFFFFD0]  }
0xb3: {  	s8 =	simm.s32 $0x5;
	s15 =	simm.s32 $0xB740;
	v17 =	vadd.s32 v0, v8;
	v13 =	vadd.f32 v13, v7  }
0xb4: {  	v19 =	vld [tilespmem:s15+$0x0];
	[tilespmem:v10+s22+$0x0] =	vst.idx.msk $0xffff, v12;
	v12 =	vadd.s32 v1, v18;
	v10 =	vmov s8  }
0xb5: {  	[tilespmem:v15+s22+$0x0] =	vst.idx.msk $0xffff, v13;
	v10 =	vand.u32 $0x7F, v10;
	v13 =	vld [tilespmem:s14+$0x10]  }
0xb6: {  	v11 =	vadd.f32 v11, v9;
	v15 =	vadd.s32 v0, v10;
	v20 =	vld [tilespmem:s17+$0x20]  }
0xb7: {  	s16 =	simm.s32 $0x4;
	v21 =	vadd.s32 v1, v6;
	v16 =	vadd.f32 v16, v7  }
0xb8: {  	v22 =	vadd.s32 v2, v14;
	[tilespmem:v17+s22+$0x0] =	vst.idx.msk $0xffff, v11;
	v11 =	vmov s16;
	v17 =	vld [tilespmem:s15+$0xFFFFFFC0]  }
0xb9: {  	v11 =	vand.u32 $0x7E, v11;
	[tilespmem:v12+s22+$0x0] =	vst.idx.msk $0xffff, v16;
	v12 =	vadd.f32 v19, v9;
	v16 =	vld [tilespmem:s14+$0xFFFFFFD0]  }
0xba: {  	s18 =	simm.s32 $0x7;
	s16 =	simm.s32 $0xB7C0;
	v19 =	vadd.s32 v0, v11;
	v13 =	vadd.f32 v13, v7;
	v23 =	vld [tilespmem:s17+$0xFFFFFFE0]  }
0xbb: {  	v24 =	vld [tilespmem:s16+$0x0];
	[tilespmem:v15+s22+$0x0] =	vst.idx.msk $0xffff, v12;
	v15 =	vadd.s32 v1, v8;
	v20 =	vadd.f32 v20, v5;
	v12 =	vmov s18  }
0xbc: {  	[tilespmem:v21+s22+$0x0] =	vst.idx.msk $0xffff, v13;
	v21 =	vadd.s32 v2, v18;
	v12 =	vand.u32 $0x7F, v12;
	v25 =	vld [tilespmem:s15+$0x10]  }
0xbd: {  	v13 =	vadd.f32 v17, v9;
	[tilespmem:v22+s22+$0x0] =	vst.idx.msk $0xffff, v20;
	v17 =	vadd.s32 v0, v12;
	v20 =	vld [tilespmem:s14+$0x20]  }
0xbe: {  	s6 =	simm.s32 $0x6;
	v26 =	vadd.s32 v1, v10;
	v16 =	vadd.f32 v16, v7;
	v27 =	vld [tilespmem:s17+$0x30]  }
0xbf: {  	v28 =	vadd.s32 v2, v6;
	[tilespmem:v19+s22+$0x0] =	vst.idx.msk $0xffff, v13;
	v13 =	vmov s6;
	v19 =	vadd.f32 v23, v5;
	v23 =	vld [tilespmem:s16+$0xFFFFFFC0]  }
0xc0: {  	v30 =	vadd.s32 v3, v14;
	v13 =	vand.u32 $0x7E, v13;
	v29 =	vld [tilespmem:s15+$0xFFFFFFD0];
	[tilespmem:v15+s22+$0x0] =	vst.idx.msk $0xffff, v16;
	v16 =	vadd.f32 v24, v9  }
0xc1: {  	[tilespmem:v21+s22+$0x0] =	vst.idx.msk $0xffff, v19;
	v21 =	vadd.s32 v0, v13;
	v14 =	vadd.f32 v25, v7;
	v15 =	vld [tilespmem:s14+$0xFFFFFFE0]  }
0xc2: {  	s8 =	simm.s32 $0x9;
	s18 =	simm.s32 $0xB840;
	v19 =	vadd.s32 v1, v11;
	[tilespmem:v17+s22+$0x0] =	vst.idx.msk $0xffff, v16;
	v20 =	vadd.f32 v20, v5;
	v16 =	vld [tilespmem:s17+$0xFFFFFFF0]  }
0xc3: {  	v22 =	vld [tilespmem:s18+$0x0];
	v24 =	vmov s8;
	v17 =	vadd.s32 v2, v8;
	[tilespmem:v26+s22+$0x0] =	vst.idx.msk $0xffff, v14;
	v27 =	vadd.f32 v27, v4  }
0xc4: {  	v18 =	vadd.s32 v3, v18;
	v14 =	vand.u32 $0x7F, v24;
	v26 =	vadd.f32 v23, v9;
	v23 =	vld [tilespmem:s16+$0x10];
	[tilespmem:v28+s22+$0x0] =	vst.idx.msk $0xffff, v20  }
0xc5: {  	s5 =	simm.s32 $0xA;
	s6 =	simm.s32 $0x8;
	s17 =	simm.s32 $0xB840;
	v24 =	vadd.s32 v0, v14;
	v25 =	vadd.f32 v29, v7;
	v20 =	vld [tilespmem:s15+$0x20];
	[tilespmem:v30+s22+$0x0] =	vst.idx.msk $0xffff, v27  }
.LBB2_7:
0xc6: {  	p2 =	slt.u32 s5, $0x7E;
	[tilespmem:v21+s22+$0x0] =	vst.idx.msk $0xffff, v26;
	v26 =	vadd.s32 v1, v12;
	v15 =	vadd.f32 v15, v5;
	v27 =	vld [tilespmem:s14+$0x30];
	v28 =	vmov v11  }
0xc7: {  	v21 =	vmov s6;
	v11 =	vmovc v13;
	s6 =	smov.u32 s5;
	v29 =	vld [tilespmem:s18+$0xFFFFFFC0];
	[tilespmem:v19+s22+$0x0] =	vst.idx.msk $0xffff, v25;
	v25 =	vadd.s32 v2, v10;
	v16 =	vadd.f32 v16, v4  }
0xc8: {  	v31 =	vadd.s32 v3, v6;
	v13 =	vand.u32 $0x7E, v21;
	v19 =	vadd.f32 v22, v9;
	v30 =	vld [tilespmem:s16+$0xFFFFFFD0];
	[tilespmem:v17+s22+$0x0] =	vst.idx.msk $0xffff, v15  }
.Ltmp2:
0xc9: {  	v6 =	vmov v10;
	v21 =	vadd.s32 v0, v13;
	v17 =	vadd.f32 v23, v7;
	v15 =	vld [tilespmem:s15+$0xFFFFFFE0];
	[tilespmem:v18+s22+$0x0] =	vst.idx.msk $0xffff, v16;
	(pc) =	sbr.rel @p2 .LBB2_7-.Ltmp2, $4  }
0xca: {  	s8 =	sadd.s32 $0x1, s5;
	s18 =	sadd.s32 $0x80, s18;
	v10 =	vmov v12;
	[tilespmem:v24+s22+$0x0] =	vst.idx.msk $0xffff, v19;
	v19 =	vadd.s32 v1, v11;
	v18 =	vadd.f32 v20, v5;
	v16 =	vld [tilespmem:s14+$0xFFFFFFF0];
	s14 =	smov.u32 s15  }
0xcb: {  	v12 =	vmovc v14;
	v20 =	vmov s8;
	s15 =	smov.u32 s16;
	s16 =	smov.u32 s17;
	s17 =	smov.u32 s18;
	v22 =	vld [tilespmem:s18+$0x0];
	[tilespmem:v26+s22+$0x0] =	vst.idx.msk $0xffff, v17;
	v17 =	vadd.s32 v2, v28;
	v27 =	vadd.f32 v27, v4  }
0xcc: {  	v14 =	vand.u32 $0x7F, v20;
	v26 =	vadd.f32 v29, v9;
	v23 =	vld [tilespmem:s16+$0x10];
	[tilespmem:v25+s22+$0x0] =	vst.idx.msk $0xffff, v18;
	v18 =	vadd.s32 v3, v8  }
0xcd: {  	s5 =	sadd.s32 $0x2, s5;
	v24 =	vadd.s32 v0, v14;
	v8 =	vmov v28;
	v25 =	vadd.f32 v30, v7;
	v20 =	vld [tilespmem:s15+$0x20];
	[tilespmem:v31+s22+$0x0] =	vst.idx.msk $0xffff, v27  }
0xce: {  	v27 =	vmov s6;
	v28 =	vld [tilespmem:s18+$0xFFFFFFC0]  }
0xcf: {  	v27 =	vand.u32 $0x7E, v27  }
0xd0: {  	v29 =	vadd.s32 v0, v27;
	_ =	sdelay $0x1  }
0xd1: {  	v22 =	vadd.f32 v22, v9  }
0xd2: {  	[tilespmem:v21+s22+$0x0] =	vst.idx.msk $0xffff, v26;
	v57 =	vadd.f32 v28, v9  }
0xd3: {  	v21 =	vld [tilespmem:s16+$0xFFFFFFD0];
	[tilespmem:v24+s22+$0x0] =	vst.idx.msk $0xffff, v22  }
0xd4: {  	v58 =	vadd.s32 v1, v12;
	v24 =	vld [tilespmem:s17+$0x10];
	[tilespmem:v29+s22+$0x0] =	vst.idx.msk $0xffff, v57  }
0xd5: {  	v59 =	vadd.s32 v1, v13;
	v60 =	vld [tilespmem:s17+$0xFFFFFFD0]  }
0xd6: {  	v61 =	vadd.s32 v1, v14  }
0xd7: {  	v62 =	vadd.s32 v1, v27;
	v23 =	vadd.f32 v23, v7  }
0xd8: {  	[tilespmem:v19+s22+$0x0] =	vst.idx.msk $0xffff, v25;
	v63 =	vadd.f32 v21, v7  }
0xd9: {  	v30 =	vld [tilespmem:s15+$0xFFFFFFE0];
	[tilespmem:v58+s22+$0x0] =	vst.idx.msk $0xffff, v23;
	v31 =	vadd.f32 v24, v7  }
0xda: {  	v32 =	vadd.s32 v2, v10;
	v33 =	vld [tilespmem:s16+$0x20];
	[tilespmem:v59+s22+$0x0] =	vst.idx.msk $0xffff, v63;
	v34 =	vadd.f32 v60, v7  }
0xdb: {  	v35 =	vadd.f32 v15, v5;
	v36 =	vadd.s32 v2, v11;
	v19 =	vld [tilespmem:s16+$0xFFFFFFE0];
	[tilespmem:v61+s22+$0x0] =	vst.idx.msk $0xffff, v31  }
0xdc: {  	v37 =	vadd.s32 v2, v12;
	v16 =	vadd.f32 v16, v4;
	v38 =	vld [tilespmem:s17+$0x20];
	[tilespmem:v62+s22+$0x0] =	vst.idx.msk $0xffff, v34  }
0xdd: {  	v40 =	vadd.s32 v2, v13;
	[tilespmem:v17+s22+$0x0] =	vst.idx.msk $0xffff, v35;
	v39 =	vadd.f32 v20, v5;
	v41 =	vld [tilespmem:s17+$0xFFFFFFE0]  }
0xde: {  	v42 =	vld [tilespmem:s14+$0x30];
	v44 =	vadd.s32 v2, v14;
	[tilespmem:v18+s22+$0x0] =	vst.idx.msk $0xffff, v16;
	v43 =	vadd.f32 v30, v5  }
0xdf: {  	v47 =	vadd.s32 v2, v27;
	v45 =	vld [tilespmem:s14+$0xFFFFFFF0];
	[tilespmem:v32+s22+$0x0] =	vst.idx.msk $0xffff, v39;
	v46 =	vadd.f32 v33, v5  }
0xe0: {  	v6 =	vadd.s32 v3, v6;
	v48 =	vld [tilespmem:s15+$0x30];
	[tilespmem:v36+s22+$0x0] =	vst.idx.msk $0xffff, v43;
	v49 =	vadd.f32 v19, v5  }
0xe1: {  	v8 =	vadd.s32 v3, v8;
	v16 =	vld [tilespmem:s15+$0xFFFFFFF0];
	[tilespmem:v37+s22+$0x0] =	vst.idx.msk $0xffff, v46;
	v50 =	vadd.f32 v38, v5  }
0xe2: {  	v51 =	vadd.s32 v3, v10;
	v52 =	vld [tilespmem:s16+$0x30];
	[tilespmem:v40+s22+$0x0] =	vst.idx.msk $0xffff, v49;
	v5 =	vadd.f32 v41, v5  }
0xe3: {  	v54 =	vadd.s32 v3, v11;
	v53 =	vadd.f32 v42, v4;
	v15 =	vld [tilespmem:s16+$0xFFFFFFF0];
	[tilespmem:v44+s22+$0x0] =	vst.idx.msk $0xffff, v50  }
0xe4: {  	v56 =	vadd.s32 v3, v12;
	v55 =	vadd.f32 v45, v4;
	v57 =	vld [tilespmem:s17+$0x30];
	[tilespmem:v47+s22+$0x0] =	vst.idx.msk $0xffff, v5  }
0xe5: {  	v58 =	vadd.s32 v3, v13;
	[tilespmem:v6+s22+$0x0] =	vst.idx.msk $0xffff, v53;
	v5 =	vadd.f32 v48, v4;
	v59 =	vld [tilespmem:s17+$0xFFFFFFF0]  }
0xe6: {  	[tilespmem:v8+s22+$0x0] =	vst.idx.msk $0xffff, v55;
	v61 =	vadd.s32 v3, v14;
	v60 =	vadd.f32 v16, v4  }
0xe7: {  	v62 =	vadd.s32 v3, v27;
	[tilespmem:v51+s22+$0x0] =	vst.idx.msk $0xffff, v5;
	v5 =	vadd.f32 v52, v4  }
0xe8: {  	[tilespmem:v54+s22+$0x0] =	vst.idx.msk $0xffff, v60;
	v63 =	vadd.f32 v15, v4  }
0xe9: {  	[tilespmem:v56+s22+$0x0] =	vst.idx.msk $0xffff, v5;
	v5 =	vadd.f32 v57, v4  }
0xea: {  	[tilespmem:v58+s22+$0x0] =	vst.idx.msk $0xffff, v63;
	v4 =	vadd.f32 v59, v4  }
0xeb: {  	s5 =	sadd.s32 @!p1 $0x280, s10;
	[tilespmem:v61+s22+$0x0] =	vst.idx.msk $0xffff, v5  }
0xec: {  	s6 =	simm.s32 @!p1 $0x80;
	s8 =	simm.s32 @!p1 $0xB600;
	s18 =	sshll.u32 s13, $0x12;
	[tilespmem:v62+s22+$0x0] =	vst.idx.msk $0xffff, v4  }
0xed: {  	[tilespmem:s8], [sflag:$0x2] =	stream.indirect.gather @!p1 [hbm4b:s4+s6], $0x40, s5, s6, $0xb8;
	[tilespmem:$0x19E00] =	vst v63  }
0xee: {  	s5 =	sor.u32 s7, s18  }
0xef: {  	s5 =	sshrl.u32 s5, $0x3  }
0xf0: {  	s6 =	simm.s32 $0x13800;
	s8 =	sadd.s32 s2, s5  }
0xf1: {  	[hbm4b:s8+s3] =	stream.linear.scatter [tilespmem:s6], [sflag:$0x6], $0x80, $0x38;
	[tilespmem:$0x19E00] =	vst v63  }
0xf2: {  	s13 =	simm.s32 $0x13888;
	s14 =	sadd.s32 $0x10, s8  }
0xf3: {  	[hbm4b:s14+s3] =	stream.linear.scatter [tilespmem:s13], [sflag:$0x6], $0x80, $0x38;
	[tilespmem:$0x19E00] =	vst v63  }
0xf4: {  	s15 =	simm.s32 $0x13910;
	s17 =	simm.s32 $0x13998;
	s16 =	sadd.s32 $0x20, s8  }
0xf5: {  	[hbm4b:s16+s3] =	stream.linear.scatter [tilespmem:s15], [sflag:$0x6], $0x80, $0x38;
	[tilespmem:$0x19E00] =	vst v63  }
0xf6: {  	s5 =	simm.s32 $0x2200;
	s18 =	sadd.s32 $0x30, s8;
	s6 =	simm.s32 $0x13BB8  }
0xf7: {  	[hbm4b:s18+s3] =	stream.linear.scatter [tilespmem:s17], [sflag:$0x6], $0x80, $0x38;
	[tilespmem:$0x19E00] =	vst v63  }
0xf8: {  	s13 =	simm.s32 $0x13A20;
	s14 =	sadd.s32 $0x40, s8;
	s15 =	simm.s32 $0x13AA8  }
0xf9: {  	[hbm4b:s14+s3] =	stream.linear.scatter [tilespmem:s13], [sflag:$0x6], $0x80, $0x38;
	[tilespmem:$0x19E00] =	vst v63  }
0xfa: {  	s16 =	sadd.s32 $0x50, s8;
	s17 =	simm.s32 $0x13B30;
	s18 =	sadd.s32 $0x60, s8  }
0xfb: {  	[hbm4b:s16+s3] =	stream.linear.scatter [tilespmem:s15], [sflag:$0x6], $0x80, $0x38;
	[tilespmem:$0x19E00] =	vst v63  }
0xfc: {  	s13 =	simm.s32 $0x440;
	s14 =	sadd.s32 $0x1000, s8;
	s15 =	sadd.s32 $0x70, s8  }
0xfd: {  	[hbm4b:s18+s3] =	stream.linear.scatter [tilespmem:s17], [sflag:$0x6], $0x80, $0x38;
	[tilespmem:$0x19E00] =	vst v63  }
.LBB2_9:
0xfe: {  	[hbm4b:s15+s3] =	stream.linear.scatter [tilespmem:s6], [sflag:$0x6], $0x80, $0x38;
	[tilespmem:$0x19E00] =	vst v63  }
0xff: {  	s6 =	smov.u32 s13;
	s8 =	smov.u32 s5  }
0x100: {  	s13 =	sshra.s32 s8, $0x2;
	s8 =	sadd.s32 $0x1100, s5;
	s15 =	sadd.s32 $0x13800, s6  }
0x101: {  	[hbm4b:s14+s3] =	stream.linear.scatter [tilespmem:s15], [sflag:$0x6], $0x80, $0x38;
	[tilespmem:$0x19E00] =	vst v63  }
0x102: {  	p2 =	sne.s32 s5, $0x7700;
	s5 =	sadd.s32 $0x13888, s6;
	s15 =	sadd.s32 $0x10, s14  }
0x103: {  	[hbm4b:s15+s3] =	stream.linear.scatter [tilespmem:s5], [sflag:$0x6], $0x80, $0x38;
	[tilespmem:$0x19E00] =	vst v63  }
0x104: {  	s5 =	sadd.s32 $0x13910, s6;
	s15 =	sadd.s32 $0x20, s14  }
0x105: {  	[hbm4b:s15+s3] =	stream.linear.scatter [tilespmem:s5], [sflag:$0x6], $0x80, $0x38;
	[tilespmem:$0x19E00] =	vst v63  }
0x106: {  	s5 =	sadd.s32 $0x13998, s6;
	s15 =	sadd.s32 $0x30, s14  }
0x107: {  	[hbm4b:s15+s3] =	stream.linear.scatter [tilespmem:s5], [sflag:$0x6], $0x80, $0x38;
	[tilespmem:$0x19E00] =	vst v63  }
0x108: {  	s5 =	sadd.s32 $0x13A20, s6;
	s15 =	sadd.s32 $0x40, s14  }
0x109: {  	[hbm4b:s15+s3] =	stream.linear.scatter [tilespmem:s5], [sflag:$0x6], $0x80, $0x38;
	[tilespmem:$0x19E00] =	vst v63  }
.Ltmp3:
0x10a: {  	s5 =	sadd.s32 $0x13AA8, s6;
	s15 =	sadd.s32 $0x50, s14;
	(pc) =	sbr.rel @p2 .LBB2_9-.Ltmp3, $4  }
0x10b: {  	[hbm4b:s15+s3] =	stream.linear.scatter [tilespmem:s5], [sflag:$0x6], $0x80, $0x38;
	[tilespmem:$0x19E00] =	vst v63  }
0x10c: {  	s5 =	sadd.s32 $0x13B30, s6;
	s15 =	sadd.s32 $0x60, s14;
	s6 =	sadd.s32 $0x13BB8, s6  }
0x10d: {  	[hbm4b:s15+s3] =	stream.linear.scatter [tilespmem:s5], [sflag:$0x6], $0x80, $0x38;
	[tilespmem:$0x19E00] =	vst v63  }
0x10e: {  	s15 =	sadd.s32 $0x70, s14;
	s14 =	sadd.s32 $0x1000, s14;
	s5 =	smov.u32 s8  }
0x10f: {  	[hbm4b:s15+s3] =	stream.linear.scatter [tilespmem:s6], [sflag:$0x6], $0x80, $0x38;
	[tilespmem:$0x19E00] =	vst v63  }
0x110: {  	s5 =	sadd.s32 $0x13800, s13  }
0x111: {  	[hbm4b:s14+s3] =	stream.linear.scatter [tilespmem:s5], [sflag:$0x6], $0x80, $0x38;
	[tilespmem:$0x19E00] =	vst v63  }
0x112: {  	s17 =	sadd.s32 $0x13888, s13;
	s18 =	sadd.s32 $0x10, s14  }
0x113: {  	[hbm4b:s18+s3] =	stream.linear.scatter [tilespmem:s17], [sflag:$0x6], $0x80, $0x38;
	[tilespmem:$0x19E00] =	vst v63  }
0x114: {  	s6 =	sadd.s32 $0x13910, s13;
	s8 =	sadd.s32 $0x20, s14  }
0x115: {  	[hbm4b:s8+s3] =	stream.linear.scatter [tilespmem:s6], [sflag:$0x6], $0x80, $0x38;
	[tilespmem:$0x19E00] =	vst v63  }
0x116: {  	s15 =	sadd.s32 $0x13998, s13;
	s16 =	sadd.s32 $0x30, s14  }
0x117: {  	[hbm4b:s16+s3] =	stream.linear.scatter [tilespmem:s15], [sflag:$0x6], $0x80, $0x38;
	[tilespmem:$0x19E00] =	vst v63  }
0x118: {  	s17 =	sadd.s32 $0x13A20, s13;
	s18 =	sadd.s32 $0x40, s14  }
0x119: {  	[hbm4b:s18+s3] =	stream.linear.scatter [tilespmem:s17], [sflag:$0x6], $0x80, $0x38;
	[tilespmem:$0x19E00] =	vst v63  }
0x11a: {  	s6 =	sadd.s32 $0x13AA8, s13;
	s8 =	sadd.s32 $0x50, s14  }
0x11b: {  	[hbm4b:s8+s3] =	stream.linear.scatter [tilespmem:s6], [sflag:$0x6], $0x80, $0x38;
	[tilespmem:$0x19E00] =	vst v63  }
0x11c: {  	s15 =	sadd.s32 $0x13B30, s13;
	s16 =	sadd.s32 $0x60, s14  }
0x11d: {  	[hbm4b:s16+s3] =	stream.linear.scatter [tilespmem:s15], [sflag:$0x6], $0x80, $0x38;
	[tilespmem:$0x19E00] =	vst v63  }
0x11e: {  	s17 =	sadd.s32 $0x13BB8, s13;
	s18 =	sadd.s32 $0x70, s14  }
0x11f: {  	[hbm4b:s18+s3] =	stream.linear.scatter [tilespmem:s17], [sflag:$0x6], $0x80, $0x38;
	[tilespmem:$0x19E00] =	vst v63  }
0x120: {  	_ =	swait.ge [sflag:s23], $0x2000  }
0x121: {  	[sflag:s23] =	ssyncset.done $0x0  }
0x122: {  	s5 =	simm.s32 @!p0 $0x7;
	[sflag:s23] =	ssyncadd.s32 $0xFFFFE000  }
0x123: {  	s13 =	sor.u32 $0x2, s12;
	_ =	swait.ge @!p0 [sflag:s5], $0x2000  }
0x124: {  	s8 =	sshll.u32 s13, $0x6;
	[sflag:s5] =	ssyncset.done @!p0 $0x0  }
0x125: {  	s14 =	sand.u32 $0x3FFFFFC0, s8;
	[sflag:s5] =	ssyncadd.s32 @!p0 $0xFFFFE000  }
0x126: {  	s15 =	simm.s32 $0x1;
	s17 =	simm.s32 $0xD640;
	v9 =	vld [tilespmem:s14+$0x6400]  }
0x127: {  	v4 =	vmov s15;
	v6 =	vld [tilespmem:s17+$0x0]  }
0x128: {  	v14 =	vand.u32 $0x7F, v4  }
0x129: {  	v8 =	vadd.s32 v0, v14  }
0x12a: {  	s16 =	simm.s32 $0x0;
	v7 =	vld [tilespmem:s14+$0x6410]  }
0x12b: {  	v4 =	vmov s16;
	v10 =	vld [tilespmem:s17+$0xFFFFFFC0]  }
0x12c: {  	v18 =	vand.u32 $0x7E, v4;
	v5 =	vld [tilespmem:s14+$0x6420];
	v6 =	vadd.f32 v6, v9  }
0x12d: {  	s18 =	simm.s32 $0x3;
	v11 =	vadd.s32 v0, v18;
	v4 =	vld [tilespmem:s14+$0x6430];
	s14 =	simm.s32 $0xD6C0  }
0x12e: {  	v12 =	vld [tilespmem:s14+$0x0];
	[tilespmem:v8+s24+$0x0] =	vst.idx.msk $0xffff, v6;
	v6 =	vmov s18  }
0x12f: {  	v6 =	vand.u32 $0x7F, v6;
	v13 =	vld [tilespmem:s17+$0x10]  }
0x130: {  	v8 =	vadd.f32 v10, v9;
	v10 =	vadd.s32 v0, v6  }
0x131: {  	s6 =	simm.s32 $0x2;
	v15 =	vadd.s32 v1, v14  }
0x132: {  	[tilespmem:v11+s24+$0x0] =	vst.idx.msk $0xffff, v8;
	v8 =	vmov s6;
	v11 =	vld [tilespmem:s14+$0xFFFFFFC0]  }
0x133: {  	v12 =	vadd.f32 v12, v9;
	v8 =	vand.u32 $0x7E, v8;
	v16 =	vld [tilespmem:s17+$0xFFFFFFD0]  }
0x134: {  	s8 =	simm.s32 $0x5;
	s15 =	simm.s32 $0xD740;
	v17 =	vadd.s32 v0, v8;
	v13 =	vadd.f32 v13, v7  }
0x135: {  	v19 =	vld [tilespmem:s15+$0x0];
	[tilespmem:v10+s24+$0x0] =	vst.idx.msk $0xffff, v12;
	v12 =	vadd.s32 v1, v18;
	v10 =	vmov s8  }
0x136: {  	[tilespmem:v15+s24+$0x0] =	vst.idx.msk $0xffff, v13;
	v10 =	vand.u32 $0x7F, v10;
	v13 =	vld [tilespmem:s14+$0x10]  }
0x137: {  	v11 =	vadd.f32 v11, v9;
	v15 =	vadd.s32 v0, v10;
	v20 =	vld [tilespmem:s17+$0x20]  }
0x138: {  	s16 =	simm.s32 $0x4;
	v21 =	vadd.s32 v1, v6;
	v16 =	vadd.f32 v16, v7  }
0x139: {  	v22 =	vadd.s32 v2, v14;
	[tilespmem:v17+s24+$0x0] =	vst.idx.msk $0xffff, v11;
	v11 =	vmov s16;
	v17 =	vld [tilespmem:s15+$0xFFFFFFC0]  }
0x13a: {  	v11 =	vand.u32 $0x7E, v11;
	[tilespmem:v12+s24+$0x0] =	vst.idx.msk $0xffff, v16;
	v12 =	vadd.f32 v19, v9;
	v16 =	vld [tilespmem:s14+$0xFFFFFFD0]  }
0x13b: {  	s18 =	simm.s32 $0x7;
	s16 =	simm.s32 $0xD7C0;
	v19 =	vadd.s32 v0, v11;
	v13 =	vadd.f32 v13, v7;
	v23 =	vld [tilespmem:s17+$0xFFFFFFE0]  }
0x13c: {  	v24 =	vld [tilespmem:s16+$0x0];
	[tilespmem:v15+s24+$0x0] =	vst.idx.msk $0xffff, v12;
	v15 =	vadd.s32 v1, v8;
	v20 =	vadd.f32 v20, v5;
	v12 =	vmov s18  }
0x13d: {  	[tilespmem:v21+s24+$0x0] =	vst.idx.msk $0xffff, v13;
	v21 =	vadd.s32 v2, v18;
	v12 =	vand.u32 $0x7F, v12;
	v25 =	vld [tilespmem:s15+$0x10]  }
0x13e: {  	v13 =	vadd.f32 v17, v9;
	[tilespmem:v22+s24+$0x0] =	vst.idx.msk $0xffff, v20;
	v17 =	vadd.s32 v0, v12;
	v20 =	vld [tilespmem:s14+$0x20]  }
0x13f: {  	s6 =	simm.s32 $0x6;
	v26 =	vadd.s32 v1, v10;
	v16 =	vadd.f32 v16, v7;
	v27 =	vld [tilespmem:s17+$0x30]  }
0x140: {  	v28 =	vadd.s32 v2, v6;
	[tilespmem:v19+s24+$0x0] =	vst.idx.msk $0xffff, v13;
	v13 =	vmov s6;
	v19 =	vadd.f32 v23, v5;
	v23 =	vld [tilespmem:s16+$0xFFFFFFC0]  }
0x141: {  	v30 =	vadd.s32 v3, v14;
	v13 =	vand.u32 $0x7E, v13;
	v29 =	vld [tilespmem:s15+$0xFFFFFFD0];
	[tilespmem:v15+s24+$0x0] =	vst.idx.msk $0xffff, v16;
	v16 =	vadd.f32 v24, v9  }
0x142: {  	[tilespmem:v21+s24+$0x0] =	vst.idx.msk $0xffff, v19;
	v21 =	vadd.s32 v0, v13;
	v14 =	vadd.f32 v25, v7;
	v15 =	vld [tilespmem:s14+$0xFFFFFFE0]  }
0x143: {  	s8 =	simm.s32 $0x9;
	s18 =	simm.s32 $0xD840;
	v19 =	vadd.s32 v1, v11;
	[tilespmem:v17+s24+$0x0] =	vst.idx.msk $0xffff, v16;
	v20 =	vadd.f32 v20, v5;
	v16 =	vld [tilespmem:s17+$0xFFFFFFF0]  }
0x144: {  	v22 =	vld [tilespmem:s18+$0x0];
	v24 =	vmov s8;
	v17 =	vadd.s32 v2, v8;
	[tilespmem:v26+s24+$0x0] =	vst.idx.msk $0xffff, v14;
	v27 =	vadd.f32 v27, v4  }
0x145: {  	v18 =	vadd.s32 v3, v18;
	v14 =	vand.u32 $0x7F, v24;
	v26 =	vadd.f32 v23, v9;
	v23 =	vld [tilespmem:s16+$0x10];
	[tilespmem:v28+s24+$0x0] =	vst.idx.msk $0xffff, v20  }
0x146: {  	s5 =	simm.s32 $0xA;
	s6 =	simm.s32 $0x8;
	s17 =	simm.s32 $0xD840;
	v24 =	vadd.s32 v0, v14;
	v25 =	vadd.f32 v29, v7;
	v20 =	vld [tilespmem:s15+$0x20];
	[tilespmem:v30+s24+$0x0] =	vst.idx.msk $0xffff, v27  }
.LBB2_11:
0x147: {  	p2 =	slt.u32 s5, $0x7E;
	[tilespmem:v21+s24+$0x0] =	vst.idx.msk $0xffff, v26;
	v26 =	vadd.s32 v1, v12;
	v15 =	vadd.f32 v15, v5;
	v27 =	vld [tilespmem:s14+$0x30];
	v28 =	vmov v11  }
0x148: {  	v21 =	vmov s6;
	v11 =	vmovc v13;
	s6 =	smov.u32 s5;
	v29 =	vld [tilespmem:s18+$0xFFFFFFC0];
	[tilespmem:v19+s24+$0x0] =	vst.idx.msk $0xffff, v25;
	v25 =	vadd.s32 v2, v10;
	v16 =	vadd.f32 v16, v4  }
0x149: {  	v31 =	vadd.s32 v3, v6;
	v13 =	vand.u32 $0x7E, v21;
	v19 =	vadd.f32 v22, v9;
	v30 =	vld [tilespmem:s16+$0xFFFFFFD0];
	[tilespmem:v17+s24+$0x0] =	vst.idx.msk $0xffff, v15  }
.Ltmp4:
0x14a: {  	v6 =	vmov v10;
	v21 =	vadd.s32 v0, v13;
	v17 =	vadd.f32 v23, v7;
	v15 =	vld [tilespmem:s15+$0xFFFFFFE0];
	[tilespmem:v18+s24+$0x0] =	vst.idx.msk $0xffff, v16;
	(pc) =	sbr.rel @p2 .LBB2_11-.Ltmp4, $4  }
0x14b: {  	s8 =	sadd.s32 $0x1, s5;
	s18 =	sadd.s32 $0x80, s18;
	v10 =	vmov v12;
	[tilespmem:v24+s24+$0x0] =	vst.idx.msk $0xffff, v19;
	v19 =	vadd.s32 v1, v11;
	v18 =	vadd.f32 v20, v5;
	v16 =	vld [tilespmem:s14+$0xFFFFFFF0];
	s14 =	smov.u32 s15  }
0x14c: {  	v12 =	vmovc v14;
	v20 =	vmov s8;
	s15 =	smov.u32 s16;
	s16 =	smov.u32 s17;
	s17 =	smov.u32 s18;
	v22 =	vld [tilespmem:s18+$0x0];
	[tilespmem:v26+s24+$0x0] =	vst.idx.msk $0xffff, v17;
	v17 =	vadd.s32 v2, v28;
	v27 =	vadd.f32 v27, v4  }
0x14d: {  	v14 =	vand.u32 $0x7F, v20;
	v26 =	vadd.f32 v29, v9;
	v23 =	vld [tilespmem:s16+$0x10];
	[tilespmem:v25+s24+$0x0] =	vst.idx.msk $0xffff, v18;
	v18 =	vadd.s32 v3, v8  }
0x14e: {  	s5 =	sadd.s32 $0x2, s5;
	v24 =	vadd.s32 v0, v14;
	v8 =	vmov v28;
	v25 =	vadd.f32 v30, v7;
	v20 =	vld [tilespmem:s15+$0x20];
	[tilespmem:v31+s24+$0x0] =	vst.idx.msk $0xffff, v27  }
0x14f: {  	v27 =	vmov s6;
	v28 =	vld [tilespmem:s18+$0xFFFFFFC0]  }
0x150: {  	v27 =	vand.u32 $0x7E, v27  }
0x151: {  	v29 =	vadd.s32 v0, v27;
	_ =	sdelay $0x1  }
0x152: {  	v22 =	vadd.f32 v22, v9  }
0x153: {  	[tilespmem:v21+s24+$0x0] =	vst.idx.msk $0xffff, v26;
	v57 =	vadd.f32 v28, v9  }
0x154: {  	v21 =	vld [tilespmem:s16+$0xFFFFFFD0];
	[tilespmem:v24+s24+$0x0] =	vst.idx.msk $0xffff, v22  }
0x155: {  	v58 =	vadd.s32 v1, v12;
	v24 =	vld [tilespmem:s17+$0x10];
	[tilespmem:v29+s24+$0x0] =	vst.idx.msk $0xffff, v57  }
0x156: {  	v59 =	vadd.s32 v1, v13;
	v60 =	vld [tilespmem:s17+$0xFFFFFFD0]  }
0x157: {  	v61 =	vadd.s32 v1, v14  }
0x158: {  	v62 =	vadd.s32 v1, v27;
	v23 =	vadd.f32 v23, v7  }
0x159: {  	[tilespmem:v19+s24+$0x0] =	vst.idx.msk $0xffff, v25;
	v63 =	vadd.f32 v21, v7  }
0x15a: {  	v30 =	vld [tilespmem:s15+$0xFFFFFFE0];
	[tilespmem:v58+s24+$0x0] =	vst.idx.msk $0xffff, v23;
	v31 =	vadd.f32 v24, v7  }
0x15b: {  	v32 =	vadd.s32 v2, v10;
	v33 =	vld [tilespmem:s16+$0x20];
	[tilespmem:v59+s24+$0x0] =	vst.idx.msk $0xffff, v63;
	v34 =	vadd.f32 v60, v7  }
0x15c: {  	v35 =	vadd.f32 v15, v5;
	v36 =	vadd.s32 v2, v11;
	v19 =	vld [tilespmem:s16+$0xFFFFFFE0];
	[tilespmem:v61+s24+$0x0] =	vst.idx.msk $0xffff, v31  }
0x15d: {  	v37 =	vadd.s32 v2, v12;
	v16 =	vadd.f32 v16, v4;
	v38 =	vld [tilespmem:s17+$0x20];
	[tilespmem:v62+s24+$0x0] =	vst.idx.msk $0xffff, v34  }
0x15e: {  	v40 =	vadd.s32 v2, v13;
	[tilespmem:v17+s24+$0x0] =	vst.idx.msk $0xffff, v35;
	v39 =	vadd.f32 v20, v5;
	v41 =	vld [tilespmem:s17+$0xFFFFFFE0]  }
0x15f: {  	v42 =	vld [tilespmem:s14+$0x30];
	v44 =	vadd.s32 v2, v14;
	[tilespmem:v18+s24+$0x0] =	vst.idx.msk $0xffff, v16;
	v43 =	vadd.f32 v30, v5  }
0x160: {  	v47 =	vadd.s32 v2, v27;
	v45 =	vld [tilespmem:s14+$0xFFFFFFF0];
	[tilespmem:v32+s24+$0x0] =	vst.idx.msk $0xffff, v39;
	v46 =	vadd.f32 v33, v5  }
0x161: {  	v6 =	vadd.s32 v3, v6;
	v48 =	vld [tilespmem:s15+$0x30];
	[tilespmem:v36+s24+$0x0] =	vst.idx.msk $0xffff, v43;
	v49 =	vadd.f32 v19, v5  }
0x162: {  	v8 =	vadd.s32 v3, v8;
	v16 =	vld [tilespmem:s15+$0xFFFFFFF0];
	[tilespmem:v37+s24+$0x0] =	vst.idx.msk $0xffff, v46;
	v50 =	vadd.f32 v38, v5  }
0x163: {  	v51 =	vadd.s32 v3, v10;
	v52 =	vld [tilespmem:s16+$0x30];
	[tilespmem:v40+s24+$0x0] =	vst.idx.msk $0xffff, v49;
	v5 =	vadd.f32 v41, v5  }
0x164: {  	v54 =	vadd.s32 v3, v11;
	v53 =	vadd.f32 v42, v4;
	v15 =	vld [tilespmem:s16+$0xFFFFFFF0];
	[tilespmem:v44+s24+$0x0] =	vst.idx.msk $0xffff, v50  }
0x165: {  	v56 =	vadd.s32 v3, v12;
	v55 =	vadd.f32 v45, v4;
	v57 =	vld [tilespmem:s17+$0x30];
	[tilespmem:v47+s24+$0x0] =	vst.idx.msk $0xffff, v5  }
0x166: {  	v58 =	vadd.s32 v3, v13;
	[tilespmem:v6+s24+$0x0] =	vst.idx.msk $0xffff, v53;
	v5 =	vadd.f32 v48, v4;
	v59 =	vld [tilespmem:s17+$0xFFFFFFF0]  }
0x167: {  	[tilespmem:v8+s24+$0x0] =	vst.idx.msk $0xffff, v55;
	v61 =	vadd.s32 v3, v14;
	v60 =	vadd.f32 v16, v4  }
0x168: {  	v62 =	vadd.s32 v3, v27;
	[tilespmem:v51+s24+$0x0] =	vst.idx.msk $0xffff, v5;
	v5 =	vadd.f32 v52, v4  }
0x169: {  	[tilespmem:v54+s24+$0x0] =	vst.idx.msk $0xffff, v60;
	v63 =	vadd.f32 v15, v4  }
0x16a: {  	[tilespmem:v56+s24+$0x0] =	vst.idx.msk $0xffff, v5;
	v5 =	vadd.f32 v57, v4  }
0x16b: {  	[tilespmem:v58+s24+$0x0] =	vst.idx.msk $0xffff, v63;
	v4 =	vadd.f32 v59, v4  }
0x16c: {  	s5 =	sadd.s32 @!p1 $0x300, s10;
	[tilespmem:v61+s24+$0x0] =	vst.idx.msk $0xffff, v5  }
0x16d: {  	s6 =	simm.s32 @!p1 $0x80;
	s8 =	simm.s32 @!p1 $0xD600;
	s18 =	sshll.u32 s13, $0x12;
	[tilespmem:v62+s24+$0x0] =	vst.idx.msk $0xffff, v4  }
0x16e: {  	[tilespmem:s8], [sflag:$0x3] =	stream.indirect.gather @!p1 [hbm4b:s4+s6], $0x40, s5, s6, $0xb8;
	[tilespmem:$0x19E00] =	vst v63  }
0x16f: {  	s5 =	sor.u32 s7, s18  }
0x170: {  	s5 =	sshrl.u32 s5, $0x3  }
0x171: {  	s6 =	simm.s32 $0x15A00;
	s8 =	sadd.s32 s2, s5  }
0x172: {  	[hbm4b:s8+s3] =	stream.linear.scatter [tilespmem:s6], [sflag:$0x7], $0x80, $0x38;
	[tilespmem:$0x19E00] =	vst v63  }
0x173: {  	s13 =	simm.s32 $0x15A88;
	s14 =	sadd.s32 $0x10, s8  }
0x174: {  	[hbm4b:s14+s3] =	stream.linear.scatter [tilespmem:s13], [sflag:$0x7], $0x80, $0x38;
	[tilespmem:$0x19E00] =	vst v63  }
0x175: {  	s15 =	simm.s32 $0x15B10;
	s17 =	simm.s32 $0x15B98;
	s16 =	sadd.s32 $0x20, s8  }
0x176: {  	[hbm4b:s16+s3] =	stream.linear.scatter [tilespmem:s15], [sflag:$0x7], $0x80, $0x38;
	[tilespmem:$0x19E00] =	vst v63  }
0x177: {  	s5 =	simm.s32 $0x2200;
	s18 =	sadd.s32 $0x30, s8;
	s6 =	simm.s32 $0x15DB8  }
0x178: {  	[hbm4b:s18+s3] =	stream.linear.scatter [tilespmem:s17], [sflag:$0x7], $0x80, $0x38;
	[tilespmem:$0x19E00] =	vst v63  }
0x179: {  	s13 =	simm.s32 $0x15C20;
	s14 =	sadd.s32 $0x40, s8;
	s15 =	simm.s32 $0x15CA8  }
0x17a: {  	[hbm4b:s14+s3] =	stream.linear.scatter [tilespmem:s13], [sflag:$0x7], $0x80, $0x38;
	[tilespmem:$0x19E00] =	vst v63  }
0x17b: {  	s16 =	sadd.s32 $0x50, s8;
	s17 =	simm.s32 $0x15D30;
	s18 =	sadd.s32 $0x60, s8  }
0x17c: {  	[hbm4b:s16+s3] =	stream.linear.scatter [tilespmem:s15], [sflag:$0x7], $0x80, $0x38;
	[tilespmem:$0x19E00] =	vst v63  }
0x17d: {  	s13 =	simm.s32 $0x440;
	s14 =	sadd.s32 $0x1000, s8;
	s15 =	sadd.s32 $0x70, s8  }
0x17e: {  	[hbm4b:s18+s3] =	stream.linear.scatter [tilespmem:s17], [sflag:$0x7], $0x80, $0x38;
	[tilespmem:$0x19E00] =	vst v63  }
.LBB2_13:
0x17f: {  	[hbm4b:s15+s3] =	stream.linear.scatter [tilespmem:s6], [sflag:$0x7], $0x80, $0x38;
	[tilespmem:$0x19E00] =	vst v63  }
0x180: {  	s6 =	smov.u32 s13;
	s8 =	smov.u32 s5  }
0x181: {  	s13 =	sshra.s32 s8, $0x2;
	s8 =	sadd.s32 $0x1100, s5;
	s15 =	sadd.s32 $0x15A00, s6  }
0x182: {  	[hbm4b:s14+s3] =	stream.linear.scatter [tilespmem:s15], [sflag:$0x7], $0x80, $0x38;
	[tilespmem:$0x19E00] =	vst v63  }
0x183: {  	p2 =	sne.s32 s5, $0x7700;
	s5 =	sadd.s32 $0x15A88, s6;
	s15 =	sadd.s32 $0x10, s14  }
0x184: {  	[hbm4b:s15+s3] =	stream.linear.scatter [tilespmem:s5], [sflag:$0x7], $0x80, $0x38;
	[tilespmem:$0x19E00] =	vst v63  }
0x185: {  	s5 =	sadd.s32 $0x15B10, s6;
	s15 =	sadd.s32 $0x20, s14  }
0x186: {  	[hbm4b:s15+s3] =	stream.linear.scatter [tilespmem:s5], [sflag:$0x7], $0x80, $0x38;
	[tilespmem:$0x19E00] =	vst v63  }
0x187: {  	s5 =	sadd.s32 $0x15B98, s6;
	s15 =	sadd.s32 $0x30, s14  }
0x188: {  	[hbm4b:s15+s3] =	stream.linear.scatter [tilespmem:s5], [sflag:$0x7], $0x80, $0x38;
	[tilespmem:$0x19E00] =	vst v63  }
0x189: {  	s5 =	sadd.s32 $0x15C20, s6;
	s15 =	sadd.s32 $0x40, s14  }
0x18a: {  	[hbm4b:s15+s3] =	stream.linear.scatter [tilespmem:s5], [sflag:$0x7], $0x80, $0x38;
	[tilespmem:$0x19E00] =	vst v63  }
.Ltmp5:
0x18b: {  	s5 =	sadd.s32 $0x15CA8, s6;
	s15 =	sadd.s32 $0x50, s14;
	(pc) =	sbr.rel @p2 .LBB2_13-.Ltmp5, $4  }
0x18c: {  	[hbm4b:s15+s3] =	stream.linear.scatter [tilespmem:s5], [sflag:$0x7], $0x80, $0x38;
	[tilespmem:$0x19E00] =	vst v63  }
0x18d: {  	s5 =	sadd.s32 $0x15D30, s6;
	s15 =	sadd.s32 $0x60, s14;
	s6 =	sadd.s32 $0x15DB8, s6  }
0x18e: {  	[hbm4b:s15+s3] =	stream.linear.scatter [tilespmem:s5], [sflag:$0x7], $0x80, $0x38;
	[tilespmem:$0x19E00] =	vst v63  }
0x18f: {  	s15 =	sadd.s32 $0x70, s14;
	s14 =	sadd.s32 $0x1000, s14;
	s5 =	smov.u32 s8  }
0x190: {  	[hbm4b:s15+s3] =	stream.linear.scatter [tilespmem:s6], [sflag:$0x7], $0x80, $0x38;
	[tilespmem:$0x19E00] =	vst v63  }
0x191: {  	s5 =	sadd.s32 $0x15A00, s13  }
0x192: {  	[hbm4b:s14+s3] =	stream.linear.scatter [tilespmem:s5], [sflag:$0x7], $0x80, $0x38;
	[tilespmem:$0x19E00] =	vst v63  }
0x193: {  	s15 =	sadd.s32 $0x15A88, s13;
	s16 =	sadd.s32 $0x10, s14  }
0x194: {  	[hbm4b:s16+s3] =	stream.linear.scatter [tilespmem:s15], [sflag:$0x7], $0x80, $0x38;
	[tilespmem:$0x19E00] =	vst v63  }
0x195: {  	s17 =	sadd.s32 $0x15B10, s13;
	s18 =	sadd.s32 $0x20, s14  }
0x196: {  	[hbm4b:s18+s3] =	stream.linear.scatter [tilespmem:s17], [sflag:$0x7], $0x80, $0x38;
	[tilespmem:$0x19E00] =	vst v63  }
0x197: {  	s6 =	sadd.s32 $0x15B98, s13;
	s8 =	sadd.s32 $0x30, s14  }
0x198: {  	[hbm4b:s8+s3] =	stream.linear.scatter [tilespmem:s6], [sflag:$0x7], $0x80, $0x38;
	[tilespmem:$0x19E00] =	vst v63  }
0x199: {  	s15 =	sadd.s32 $0x15C20, s13;
	s16 =	sadd.s32 $0x40, s14  }
0x19a: {  	[hbm4b:s16+s3] =	stream.linear.scatter [tilespmem:s15], [sflag:$0x7], $0x80, $0x38;
	[tilespmem:$0x19E00] =	vst v63  }
0x19b: {  	s17 =	sadd.s32 $0x15CA8, s13;
	s18 =	sadd.s32 $0x50, s14  }
0x19c: {  	[hbm4b:s18+s3] =	stream.linear.scatter [tilespmem:s17], [sflag:$0x7], $0x80, $0x38;
	[tilespmem:$0x19E00] =	vst v63  }
0x19d: {  	s8 =	sadd.s32 $0x15D30, s13;
	s15 =	sadd.s32 $0x60, s14  }
0x19e: {  	[hbm4b:s15+s3] =	stream.linear.scatter [tilespmem:s8], [sflag:$0x7], $0x80, $0x38;
	[tilespmem:$0x19E00] =	vst v63  }
0x19f: {  	s16 =	sadd.s32 $0x15DB8, s13;
	s17 =	sadd.s32 $0x70, s14  }
0x1a0: {  	[hbm4b:s17+s3] =	stream.linear.scatter [tilespmem:s16], [sflag:$0x7], $0x80, $0x38;
	[tilespmem:$0x19E00] =	vst v63  }
0x1a1: {  	_ =	swait.ge [sflag:s25], $0x2000  }
0x1a2: {  	[sflag:s25] =	ssyncset.done $0x0  }
0x1a3: {  	s5 =	simm.s32 @!p0 $0x8;
	[sflag:s25] =	ssyncadd.s32 $0xFFFFE000  }
0x1a4: {  	s12 =	sor.u32 $0x3, s12;
	_ =	swait.ge @!p0 [sflag:s5], $0x2000  }
0x1a5: {  	s18 =	sshll.u32 s12, $0x6;
	[sflag:s5] =	ssyncset.done @!p0 $0x0  }
0x1a6: {  	s8 =	sand.u32 $0x3FFFFFC0, s18;
	[sflag:s5] =	ssyncadd.s32 @!p0 $0xFFFFE000  }
0x1a7: {  	s13 =	simm.s32 $0x1;
	s16 =	simm.s32 $0xF640;
	v9 =	vld [tilespmem:s8+$0x6400]  }
0x1a8: {  	v4 =	vmov s13;
	v6 =	vld [tilespmem:s16+$0x0]  }
0x1a9: {  	v14 =	vand.u32 $0x7F, v4  }
0x1aa: {  	v8 =	vadd.s32 v0, v14  }
0x1ab: {  	s14 =	simm.s32 $0x0;
	v7 =	vld [tilespmem:s8+$0x6410]  }
0x1ac: {  	v4 =	vmov s14;
	v10 =	vld [tilespmem:s16+$0xFFFFFFC0]  }
0x1ad: {  	v18 =	vand.u32 $0x7E, v4;
	v5 =	vld [tilespmem:s8+$0x6420];
	v6 =	vadd.f32 v6, v9  }
0x1ae: {  	s13 =	simm.s32 $0xF6C0;
	s15 =	simm.s32 $0x3;
	v11 =	vadd.s32 v0, v18;
	v4 =	vld [tilespmem:s8+$0x6430]  }
0x1af: {  	v12 =	vld [tilespmem:s13+$0x0];
	[tilespmem:v8+s26+$0x0] =	vst.idx.msk $0xffff, v6;
	v6 =	vmov s15  }
0x1b0: {  	v6 =	vand.u32 $0x7F, v6;
	v13 =	vld [tilespmem:s16+$0x10]  }
0x1b1: {  	v8 =	vadd.f32 v10, v9;
	v10 =	vadd.s32 v0, v6  }
0x1b2: {  	v15 =	vadd.s32 v1, v14;
	s17 =	simm.s32 $0x2  }
0x1b3: {  	[tilespmem:v11+s26+$0x0] =	vst.idx.msk $0xffff, v8;
	v8 =	vmov s17;
	v11 =	vld [tilespmem:s13+$0xFFFFFFC0]  }
0x1b4: {  	v12 =	vadd.f32 v12, v9;
	v8 =	vand.u32 $0x7E, v8;
	v16 =	vld [tilespmem:s16+$0xFFFFFFD0]  }
0x1b5: {  	s14 =	simm.s32 $0xF740;
	s18 =	simm.s32 $0x5;
	v17 =	vadd.s32 v0, v8;
	v13 =	vadd.f32 v13, v7  }
0x1b6: {  	v19 =	vld [tilespmem:s14+$0x0];
	[tilespmem:v10+s26+$0x0] =	vst.idx.msk $0xffff, v12;
	v12 =	vadd.s32 v1, v18;
	v10 =	vmov s18  }
0x1b7: {  	[tilespmem:v15+s26+$0x0] =	vst.idx.msk $0xffff, v13;
	v10 =	vand.u32 $0x7F, v10;
	v13 =	vld [tilespmem:s13+$0x10]  }
0x1b8: {  	v11 =	vadd.f32 v11, v9;
	v15 =	vadd.s32 v0, v10;
	v20 =	vld [tilespmem:s16+$0x20]  }
0x1b9: {  	s6 =	simm.s32 $0x4;
	v21 =	vadd.s32 v1, v6;
	v16 =	vadd.f32 v16, v7  }
0x1ba: {  	v22 =	vadd.s32 v2, v14;
	[tilespmem:v17+s26+$0x0] =	vst.idx.msk $0xffff, v11;
	v11 =	vmov s6;
	v17 =	vld [tilespmem:s14+$0xFFFFFFC0]  }
0x1bb: {  	v11 =	vand.u32 $0x7E, v11;
	[tilespmem:v12+s26+$0x0] =	vst.idx.msk $0xffff, v16;
	v12 =	vadd.f32 v19, v9;
	v16 =	vld [tilespmem:s13+$0xFFFFFFD0]  }
0x1bc: {  	s8 =	simm.s32 $0x7;
	s15 =	simm.s32 $0xF7C0;
	v19 =	vadd.s32 v0, v11;
	v13 =	vadd.f32 v13, v7;
	v23 =	vld [tilespmem:s16+$0xFFFFFFE0]  }
0x1bd: {  	v24 =	vld [tilespmem:s15+$0x0];
	[tilespmem:v15+s26+$0x0] =	vst.idx.msk $0xffff, v12;
	v15 =	vadd.s32 v1, v8;
	v20 =	vadd.f32 v20, v5;
	v12 =	vmov s8  }
0x1be: {  	[tilespmem:v21+s26+$0x0] =	vst.idx.msk $0xffff, v13;
	v21 =	vadd.s32 v2, v18;
	v12 =	vand.u32 $0x7F, v12;
	v25 =	vld [tilespmem:s14+$0x10]  }
0x1bf: {  	v13 =	vadd.f32 v17, v9;
	[tilespmem:v22+s26+$0x0] =	vst.idx.msk $0xffff, v20;
	v17 =	vadd.s32 v0, v12;
	v20 =	vld [tilespmem:s13+$0x20]  }
0x1c0: {  	s17 =	simm.s32 $0x6;
	v26 =	vadd.s32 v1, v10;
	v16 =	vadd.f32 v16, v7;
	v27 =	vld [tilespmem:s16+$0x30]  }
0x1c1: {  	v28 =	vadd.s32 v2, v6;
	[tilespmem:v19+s26+$0x0] =	vst.idx.msk $0xffff, v13;
	v13 =	vmov s17;
	v19 =	vadd.f32 v23, v5;
	v23 =	vld [tilespmem:s15+$0xFFFFFFC0]  }
0x1c2: {  	v30 =	vadd.s32 v3, v14;
	v13 =	vand.u32 $0x7E, v13;
	v29 =	vld [tilespmem:s14+$0xFFFFFFD0];
	[tilespmem:v15+s26+$0x0] =	vst.idx.msk $0xffff, v16;
	v16 =	vadd.f32 v24, v9  }
0x1c3: {  	[tilespmem:v21+s26+$0x0] =	vst.idx.msk $0xffff, v19;
	v21 =	vadd.s32 v0, v13;
	v14 =	vadd.f32 v25, v7;
	v15 =	vld [tilespmem:s13+$0xFFFFFFE0]  }
0x1c4: {  	s18 =	simm.s32 $0x9;
	s17 =	simm.s32 $0xF840;
	v19 =	vadd.s32 v1, v11;
	[tilespmem:v17+s26+$0x0] =	vst.idx.msk $0xffff, v16;
	v20 =	vadd.f32 v20, v5;
	v16 =	vld [tilespmem:s16+$0xFFFFFFF0]  }
0x1c5: {  	v22 =	vld [tilespmem:s17+$0x0];
	v24 =	vmov s18;
	v17 =	vadd.s32 v2, v8;
	[tilespmem:v26+s26+$0x0] =	vst.idx.msk $0xffff, v14;
	v27 =	vadd.f32 v27, v4  }
0x1c6: {  	v18 =	vadd.s32 v3, v18;
	v14 =	vand.u32 $0x7F, v24;
	v26 =	vadd.f32 v23, v9;
	v23 =	vld [tilespmem:s15+$0x10];
	[tilespmem:v28+s26+$0x0] =	vst.idx.msk $0xffff, v20  }
0x1c7: {  	s5 =	simm.s32 $0xA;
	s6 =	simm.s32 $0x8;
	s16 =	simm.s32 $0xF840;
	v24 =	vadd.s32 v0, v14;
	v25 =	vadd.f32 v29, v7;
	v20 =	vld [tilespmem:s14+$0x20];
	[tilespmem:v30+s26+$0x0] =	vst.idx.msk $0xffff, v27  }
.LBB2_15:
0x1c8: {  	p0 =	slt.u32 s5, $0x7E;
	[tilespmem:v21+s26+$0x0] =	vst.idx.msk $0xffff, v26;
	v26 =	vadd.s32 v1, v12;
	v15 =	vadd.f32 v15, v5;
	v27 =	vld [tilespmem:s13+$0x30];
	v28 =	vmov v11  }
0x1c9: {  	v21 =	vmov s6;
	v11 =	vmovc v13;
	s6 =	smov.u32 s5;
	v29 =	vld [tilespmem:s17+$0xFFFFFFC0];
	[tilespmem:v19+s26+$0x0] =	vst.idx.msk $0xffff, v25;
	v25 =	vadd.s32 v2, v10;
	v16 =	vadd.f32 v16, v4  }
0x1ca: {  	v31 =	vadd.s32 v3, v6;
	v13 =	vand.u32 $0x7E, v21;
	v19 =	vadd.f32 v22, v9;
	v30 =	vld [tilespmem:s15+$0xFFFFFFD0];
	[tilespmem:v17+s26+$0x0] =	vst.idx.msk $0xffff, v15  }
.Ltmp6:
0x1cb: {  	v6 =	vmov v10;
	v21 =	vadd.s32 v0, v13;
	v17 =	vadd.f32 v23, v7;
	v15 =	vld [tilespmem:s14+$0xFFFFFFE0];
	[tilespmem:v18+s26+$0x0] =	vst.idx.msk $0xffff, v16;
	(pc) =	sbr.rel @p0 .LBB2_15-.Ltmp6, $4  }
0x1cc: {  	s8 =	sadd.s32 $0x1, s5;
	s17 =	sadd.s32 $0x80, s17;
	v10 =	vmov v12;
	[tilespmem:v24+s26+$0x0] =	vst.idx.msk $0xffff, v19;
	v19 =	vadd.s32 v1, v11;
	v18 =	vadd.f32 v20, v5;
	v16 =	vld [tilespmem:s13+$0xFFFFFFF0];
	s13 =	smov.u32 s14  }
0x1cd: {  	v12 =	vmovc v14;
	v20 =	vmov s8;
	s14 =	smov.u32 s15;
	s15 =	smov.u32 s16;
	s16 =	smov.u32 s17;
	v22 =	vld [tilespmem:s17+$0x0];
	[tilespmem:v26+s26+$0x0] =	vst.idx.msk $0xffff, v17;
	v17 =	vadd.s32 v2, v28;
	v27 =	vadd.f32 v27, v4  }
0x1ce: {  	v14 =	vand.u32 $0x7F, v20;
	v26 =	vadd.f32 v29, v9;
	v23 =	vld [tilespmem:s15+$0x10];
	[tilespmem:v25+s26+$0x0] =	vst.idx.msk $0xffff, v18;
	v18 =	vadd.s32 v3, v8  }
0x1cf: {  	s5 =	sadd.s32 $0x2, s5;
	v24 =	vadd.s32 v0, v14;
	v8 =	vmov v28;
	v25 =	vadd.f32 v30, v7;
	v20 =	vld [tilespmem:s14+$0x20];
	[tilespmem:v31+s26+$0x0] =	vst.idx.msk $0xffff, v27  }
0x1d0: {  	v27 =	vmov s6;
	v28 =	vld [tilespmem:s17+$0xFFFFFFC0]  }
0x1d1: {  	v27 =	vand.u32 $0x7E, v27  }
0x1d2: {  	v29 =	vadd.s32 v0, v27;
	_ =	sdelay $0x1  }
0x1d3: {  	v22 =	vadd.f32 v22, v9  }
0x1d4: {  	[tilespmem:v21+s26+$0x0] =	vst.idx.msk $0xffff, v26;
	v57 =	vadd.f32 v28, v9  }
0x1d5: {  	v21 =	vld [tilespmem:s15+$0xFFFFFFD0];
	[tilespmem:v24+s26+$0x0] =	vst.idx.msk $0xffff, v22  }
0x1d6: {  	v58 =	vadd.s32 v1, v12;
	v24 =	vld [tilespmem:s16+$0x10];
	[tilespmem:v29+s26+$0x0] =	vst.idx.msk $0xffff, v57  }
0x1d7: {  	v59 =	vadd.s32 v1, v13;
	v60 =	vld [tilespmem:s16+$0xFFFFFFD0]  }
0x1d8: {  	v61 =	vadd.s32 v1, v14  }
0x1d9: {  	v62 =	vadd.s32 v1, v27;
	v23 =	vadd.f32 v23, v7  }
0x1da: {  	[tilespmem:v19+s26+$0x0] =	vst.idx.msk $0xffff, v25;
	v63 =	vadd.f32 v21, v7  }
0x1db: {  	v30 =	vld [tilespmem:s14+$0xFFFFFFE0];
	[tilespmem:v58+s26+$0x0] =	vst.idx.msk $0xffff, v23;
	v31 =	vadd.f32 v24, v7  }
0x1dc: {  	v32 =	vadd.s32 v2, v10;
	v33 =	vld [tilespmem:s15+$0x20];
	[tilespmem:v59+s26+$0x0] =	vst.idx.msk $0xffff, v63;
	v34 =	vadd.f32 v60, v7  }
0x1dd: {  	v35 =	vadd.f32 v15, v5;
	v36 =	vadd.s32 v2, v11;
	v19 =	vld [tilespmem:s15+$0xFFFFFFE0];
	[tilespmem:v61+s26+$0x0] =	vst.idx.msk $0xffff, v31  }
0x1de: {  	v37 =	vadd.s32 v2, v12;
	v16 =	vadd.f32 v16, v4;
	v38 =	vld [tilespmem:s16+$0x20];
	[tilespmem:v62+s26+$0x0] =	vst.idx.msk $0xffff, v34  }
0x1df: {  	v40 =	vadd.s32 v2, v13;
	[tilespmem:v17+s26+$0x0] =	vst.idx.msk $0xffff, v35;
	v39 =	vadd.f32 v20, v5;
	v41 =	vld [tilespmem:s16+$0xFFFFFFE0]  }
0x1e0: {  	v42 =	vld [tilespmem:s13+$0x30];
	v44 =	vadd.s32 v2, v14;
	[tilespmem:v18+s26+$0x0] =	vst.idx.msk $0xffff, v16;
	v43 =	vadd.f32 v30, v5  }
0x1e1: {  	v47 =	vadd.s32 v2, v27;
	v45 =	vld [tilespmem:s13+$0xFFFFFFF0];
	[tilespmem:v32+s26+$0x0] =	vst.idx.msk $0xffff, v39;
	v46 =	vadd.f32 v33, v5  }
0x1e2: {  	v6 =	vadd.s32 v3, v6;
	v48 =	vld [tilespmem:s14+$0x30];
	[tilespmem:v36+s26+$0x0] =	vst.idx.msk $0xffff, v43;
	v49 =	vadd.f32 v19, v5  }
0x1e3: {  	v8 =	vadd.s32 v3, v8;
	v16 =	vld [tilespmem:s14+$0xFFFFFFF0];
	[tilespmem:v37+s26+$0x0] =	vst.idx.msk $0xffff, v46;
	v50 =	vadd.f32 v38, v5  }
0x1e4: {  	v51 =	vadd.s32 v3, v10;
	v52 =	vld [tilespmem:s15+$0x30];
	[tilespmem:v40+s26+$0x0] =	vst.idx.msk $0xffff, v49;
	v5 =	vadd.f32 v41, v5  }
0x1e5: {  	v54 =	vadd.s32 v3, v11;
	v53 =	vadd.f32 v42, v4;
	v15 =	vld [tilespmem:s15+$0xFFFFFFF0];
	[tilespmem:v44+s26+$0x0] =	vst.idx.msk $0xffff, v50  }
0x1e6: {  	v56 =	vadd.s32 v3, v12;
	v55 =	vadd.f32 v45, v4;
	v57 =	vld [tilespmem:s16+$0x30];
	[tilespmem:v47+s26+$0x0] =	vst.idx.msk $0xffff, v5  }
0x1e7: {  	v58 =	vadd.s32 v3, v13;
	[tilespmem:v6+s26+$0x0] =	vst.idx.msk $0xffff, v53;
	v5 =	vadd.f32 v48, v4;
	v59 =	vld [tilespmem:s16+$0xFFFFFFF0]  }
0x1e8: {  	[tilespmem:v8+s26+$0x0] =	vst.idx.msk $0xffff, v55;
	v61 =	vadd.s32 v3, v14;
	v60 =	vadd.f32 v16, v4  }
0x1e9: {  	v62 =	vadd.s32 v3, v27;
	[tilespmem:v51+s26+$0x0] =	vst.idx.msk $0xffff, v5;
	v5 =	vadd.f32 v52, v4  }
0x1ea: {  	[tilespmem:v54+s26+$0x0] =	vst.idx.msk $0xffff, v60;
	v63 =	vadd.f32 v15, v4  }
0x1eb: {  	[tilespmem:v56+s26+$0x0] =	vst.idx.msk $0xffff, v5;
	v5 =	vadd.f32 v57, v4  }
0x1ec: {  	[tilespmem:v58+s26+$0x0] =	vst.idx.msk $0xffff, v63;
	v4 =	vadd.f32 v59, v4  }
0x1ed: {  	s5 =	sadd.s32 @!p1 $0x380, s10;
	[tilespmem:v61+s26+$0x0] =	vst.idx.msk $0xffff, v5  }
0x1ee: {  	s6 =	simm.s32 @!p1 $0x80;
	s8 =	simm.s32 @!p1 $0xF600;
	s13 =	sshll.u32 s12, $0x12;
	[tilespmem:v62+s26+$0x0] =	vst.idx.msk $0xffff, v4  }
0x1ef: {  	[tilespmem:s8], [sflag:$0x4] =	stream.indirect.gather @!p1 [hbm4b:s4+s6], $0x40, s5, s6, $0xb8;
	[tilespmem:$0x19E00] =	vst v63  }
0x1f0: {  	s5 =	sor.u32 s7, s13  }
0x1f1: {  	s5 =	sshrl.u32 s5, $0x3  }
0x1f2: {  	s14 =	simm.s32 $0x17C00;
	s8 =	sadd.s32 s2, s5  }
0x1f3: {  	[hbm4b:s8+s3] =	stream.linear.scatter [tilespmem:s14], [sflag:$0x8], $0x80, $0x38;
	[tilespmem:$0x19E00] =	vst v63  }
0x1f4: {  	s15 =	simm.s32 $0x17C88;
	s16 =	sadd.s32 $0x10, s8  }
0x1f5: {  	[hbm4b:s16+s3] =	stream.linear.scatter [tilespmem:s15], [sflag:$0x8], $0x80, $0x38;
	[tilespmem:$0x19E00] =	vst v63  }
0x1f6: {  	s17 =	simm.s32 $0x17D10;
	s10 =	simm.s32 $0x17D98;
	s18 =	sadd.s32 $0x20, s8  }
0x1f7: {  	[hbm4b:s18+s3] =	stream.linear.scatter [tilespmem:s17], [sflag:$0x8], $0x80, $0x38;
	[tilespmem:$0x19E00] =	vst v63  }
0x1f8: {  	s13 =	simm.s32 $0x17E20;
	s6 =	simm.s32 $0x17FB8;
	s12 =	sadd.s32 $0x30, s8  }
0x1f9: {  	[hbm4b:s12+s3] =	stream.linear.scatter [tilespmem:s10], [sflag:$0x8], $0x80, $0x38;
	[tilespmem:$0x19E00] =	vst v63  }
0x1fa: {  	s5 =	simm.s32 $0x2200;
	s14 =	sadd.s32 $0x40, s8;
	s15 =	simm.s32 $0x17EA8  }
0x1fb: {  	[hbm4b:s14+s3] =	stream.linear.scatter [tilespmem:s13], [sflag:$0x8], $0x80, $0x38;
	[tilespmem:$0x19E00] =	vst v63  }
0x1fc: {  	s16 =	sadd.s32 $0x50, s8;
	s17 =	simm.s32 $0x17F30;
	s18 =	sadd.s32 $0x60, s8  }
0x1fd: {  	[hbm4b:s16+s3] =	stream.linear.scatter [tilespmem:s15], [sflag:$0x8], $0x80, $0x38;
	[tilespmem:$0x19E00] =	vst v63  }
0x1fe: {  	s10 =	simm.s32 $0x440;
	s12 =	sadd.s32 $0x1000, s8;
	s13 =	sadd.s32 $0x70, s8  }
0x1ff: {  	[hbm4b:s18+s3] =	stream.linear.scatter [tilespmem:s17], [sflag:$0x8], $0x80, $0x38;
	[tilespmem:$0x19E00] =	vst v63  }
.LBB2_17:
0x200: {  	[hbm4b:s13+s3] =	stream.linear.scatter [tilespmem:s6], [sflag:$0x8], $0x80, $0x38;
	[tilespmem:$0x19E00] =	vst v63  }
0x201: {  	s6 =	smov.u32 s10;
	s8 =	smov.u32 s5  }
0x202: {  	s10 =	sshra.s32 s8, $0x2;
	s8 =	sadd.s32 $0x1100, s5;
	s13 =	sadd.s32 $0x17C00, s6  }
0x203: {  	[hbm4b:s12+s3] =	stream.linear.scatter [tilespmem:s13], [sflag:$0x8], $0x80, $0x38;
	[tilespmem:$0x19E00] =	vst v63  }
0x204: {  	p0 =	sne.s32 s5, $0x7700;
	s5 =	sadd.s32 $0x17C88, s6;
	s13 =	sadd.s32 $0x10, s12  }
0x205: {  	[hbm4b:s13+s3] =	stream.linear.scatter [tilespmem:s5], [sflag:$0x8], $0x80, $0x38;
	[tilespmem:$0x19E00] =	vst v63  }
0x206: {  	s5 =	sadd.s32 $0x17D10, s6;
	s13 =	sadd.s32 $0x20, s12  }
0x207: {  	[hbm4b:s13+s3] =	stream.linear.scatter [tilespmem:s5], [sflag:$0x8], $0x80, $0x38;
	[tilespmem:$0x19E00] =	vst v63  }
0x208: {  	s5 =	sadd.s32 $0x17D98, s6;
	s13 =	sadd.s32 $0x30, s12  }
0x209: {  	[hbm4b:s13+s3] =	stream.linear.scatter [tilespmem:s5], [sflag:$0x8], $0x80, $0x38;
	[tilespmem:$0x19E00] =	vst v63  }
0x20a: {  	s5 =	sadd.s32 $0x17E20, s6;
	s13 =	sadd.s32 $0x40, s12  }
0x20b: {  	[hbm4b:s13+s3] =	stream.linear.scatter [tilespmem:s5], [sflag:$0x8], $0x80, $0x38;
	[tilespmem:$0x19E00] =	vst v63  }
.Ltmp7:
0x20c: {  	s5 =	sadd.s32 $0x17EA8, s6;
	s13 =	sadd.s32 $0x50, s12;
	(pc) =	sbr.rel @p0 .LBB2_17-.Ltmp7, $4  }
0x20d: {  	[hbm4b:s13+s3] =	stream.linear.scatter [tilespmem:s5], [sflag:$0x8], $0x80, $0x38;
	[tilespmem:$0x19E00] =	vst v63  }
0x20e: {  	s5 =	sadd.s32 $0x17F30, s6;
	s13 =	sadd.s32 $0x60, s12;
	s6 =	sadd.s32 $0x17FB8, s6  }
0x20f: {  	[hbm4b:s13+s3] =	stream.linear.scatter [tilespmem:s5], [sflag:$0x8], $0x80, $0x38;
	[tilespmem:$0x19E00] =	vst v63  }
0x210: {  	s13 =	sadd.s32 $0x70, s12;
	s12 =	sadd.s32 $0x1000, s12;
	s5 =	smov.u32 s8  }
0x211: {  	[hbm4b:s13+s3] =	stream.linear.scatter [tilespmem:s6], [sflag:$0x8], $0x80, $0x38;
	[tilespmem:$0x19E00] =	vst v63  }
0x212: {  	s5 =	sadd.s32 $0x17C00, s10  }
0x213: {  	[hbm4b:s12+s3] =	stream.linear.scatter [tilespmem:s5], [sflag:$0x8], $0x80, $0x38;
	[tilespmem:$0x19E00] =	vst v63  }
0x214: {  	s13 =	sadd.s32 $0x17C88, s10;
	s14 =	sadd.s32 $0x10, s12  }
0x215: {  	[hbm4b:s14+s3] =	stream.linear.scatter [tilespmem:s13], [sflag:$0x8], $0x80, $0x38;
	[tilespmem:$0x19E00] =	vst v63  }
0x216: {  	s15 =	sadd.s32 $0x17D10, s10;
	s16 =	sadd.s32 $0x20, s12  }
0x217: {  	[hbm4b:s16+s3] =	stream.linear.scatter [tilespmem:s15], [sflag:$0x8], $0x80, $0x38;
	[tilespmem:$0x19E00] =	vst v63  }
0x218: {  	s17 =	sadd.s32 $0x17D98, s10;
	s18 =	sadd.s32 $0x30, s12  }
0x219: {  	[hbm4b:s18+s3] =	stream.linear.scatter [tilespmem:s17], [sflag:$0x8], $0x80, $0x38;
	[tilespmem:$0x19E00] =	vst v63  }
0x21a: {  	s6 =	sadd.s32 $0x17E20, s10;
	s8 =	sadd.s32 $0x40, s12;
	s0 =	sadd.s32 $0x1, s0  }
0x21b: {  	[hbm4b:s8+s3] =	stream.linear.scatter [tilespmem:s6], [sflag:$0x8], $0x80, $0x38;
	[tilespmem:$0x19E00] =	vst v63  }
0x21c: {  	p0 =	sne.s32 s0, $0x32;
	s13 =	sadd.s32 $0x17EA8, s10;
	s14 =	sadd.s32 $0x50, s12  }
0x21d: {  	[hbm4b:s14+s3] =	stream.linear.scatter [tilespmem:s13], [sflag:$0x8], $0x80, $0x38;
	[tilespmem:$0x19E00] =	vst v63  }
.Ltmp8:
0x21e: {  	_ = 	snop;
	(pc) =	sbr.rel @p0 .LBB2_2-.Ltmp8, $4  }
0x21f: {  	s15 =	sadd.s32 $0x17F30, s10;
	s16 =	sadd.s32 $0x60, s12  }
0x220: {  	[hbm4b:s16+s3] =	stream.linear.scatter [tilespmem:s15], [sflag:$0x8], $0x80, $0x38;
	[tilespmem:$0x19E00] =	vst v63  }
0x221: {  	s17 =	sadd.s32 $0x17FB8, s10;
	s18 =	sadd.s32 $0x70, s12  }
0x222: {  	[hbm4b:s18+s3] =	stream.linear.scatter [tilespmem:s17], [sflag:$0x8], $0x80, $0x38;
	[tilespmem:$0x19E00] =	vst v63  }
0x223: {  	_ =	swait.ge [sflag:s28], $0x2000  }
0x224: {  	[sflag:s28] =	ssyncset.done $0x0  }
0x225: {  	[sflag:s28] =	ssyncadd.s32 $0xFFFFE000  }
0x226: {  	_ =	swait.ge [sflag:s29], $0x2000  }
0x227: {  	[sflag:s29] =	ssyncset.done $0x0  }
0x228: {  	[sflag:s29] =	ssyncadd.s32 $0xFFFFE000  }
0x229: {  	_ =	swait.ge [sflag:s30], $0x2000  }
0x22a: {  	[sflag:s30] =	ssyncset.done $0x0  }
0x22b: {  	[sflag:s30] =	ssyncadd.s32 $0xFFFFE000  }
0x22c: {  	_ =	swait.ge [sflag:s31], $0x2000  }
0x22d: {  	s1 =	sadd.s32 $0x1, s1;
	s0 =	rddreg [dreg:$0x5]  }
0x22e: {  	p0 =	sne.s32 s1, s0  }
.Ltmp9:
0x22f: {  	_ = 	snop;
	(pc) =	sbr.rel @p0 .LBB2_1-.Ltmp9, $3  }
0x230: {  	_ =	sdelay $0x1  }
0x231: {  	[sflag:s31] =	ssyncset.done $0x0  }
0x232: {  	[sflag:s31] =	ssyncadd.s32 $0xFFFFE000  }
0x233: {  	_ =	sfence.sel $0x180000  }
0x234: {  	[bflag:$0x0] =	sbarrier.arrive $0xFFFF  }
0x235: {  	_ =	strace $0x90000047  }
0x236: {  	s0 =	stileid.u32;
	[bflag:$0x2] =	sbarrier.arrive $0xFFFF  }
0x237: {  	p0 =	sne.s32 s0, $0x0;
	s0 =	rddreg [dreg:$0x2]  }
0x238: {  	s0 =	sadd.s32 @!p0 $0x100000, s0  }
0x239: {  	[sflag:s0] =	ssyncadd.tile.s32 @!p0 $0x1;
	_ =	shalt  }
.Lfunc_end2:
_tile_overlayer_lowered:
.L_overlay_start_2:
0x23a: {  	(tag) =	ssettag $0x2  }
0x23b: {  	s0 =	rddreg [dreg:$0x0];
	s2 =	stileid.u32  }
0x23c: {  	s1 =	rddreg [dreg:$0x1];
	p0 =	sne.s32 s2, $0x0  }
0x23d: {  	s3 =	rddreg [dreg:$0x2];
	[bflag:$0x3] =	sbarrier.arrive $0xFFFF;
	s2 =	simm.s32 @!p0 $0x1C09  }
0x23e: {  	[timem:s3], [sflag:s2] =	dma.local @!p0 [hbm:s0], s1  }
0x23f: {  	s0 =	simm.s32 @!p0 $0x9  }
0x240: {  	_ =	swait.ge @!p0 [sflag:s0], s1  }
0x241: {  	s1 =	ssub.s32 @!p0 $0x0, s1;
	[sflag:s0] =	ssyncset.done @!p0 $0x0  }
0x242: {  	[sflag:s0] =	ssyncadd.s32 @!p0 s1  }
0x243: {  	[bflag:$0x3] =	sbarrier.arrive $0xFFFF  }
0x244: {  	_ =	shalt  }

</sc_bundles>
